<compile_context>
chip_gen: v7x
topology: tpu7x:2x2x1
jax: 0.10.2.dev20260603
libtpu: 0.0.44.dev20260713+nightly
codegen_flags: <defaults>
</compile_context>

<pallas_src>
import functools

import jax
import jax.numpy as jnp
from jax import lax
from jax.experimental import pallas as pl
from jax.experimental.pallas import tpu as pltpu
from jax.experimental.pallas import tpu_sc as plsc

NUM_FRAGMENTS = 128
MAX_ATTACH = 16
HIDDEN = 128
BATCH = 16384

NUM_CORES = 2
NUM_SUBCORES = 16
NUM_WORKERS = NUM_CORES * NUM_SUBCORES
BPW = BATCH // NUM_WORKERS
G = 16
BLK = MAX_ATTACH * HIDDEN
GBLK = G * BLK
TABW = (NUM_FRAGMENTS + MAX_ATTACH) * HIDDEN


@jax.jit
def _fragment_gather(fragment_idx, attach_table, attach_mask):
  mesh = plsc.VectorSubcoreMesh(core_axis_name="c", subcore_axis_name="s")

  @functools.partial(
      pl.kernel,
      out_type=(
          jax.ShapeDtypeStruct((BATCH * MAX_ATTACH * HIDDEN,), jnp.float32),
          jax.ShapeDtypeStruct((BATCH * MAX_ATTACH,), jnp.float32),
      ),
      mesh=mesh,
      scratch_types=[
          pltpu.VMEM((TABW,), jnp.float32),
          pltpu.VMEM((BPW,), jnp.int32),
          pltpu.VMEM((NUM_FRAGMENTS * MAX_ATTACH,), jnp.float32),
          pltpu.VMEM((BPW * MAX_ATTACH,), jnp.float32),
          pltpu.SemaphoreType.DMA,
          pltpu.SemaphoreType.DMA,
          pltpu.SemaphoreType.DMA,
          pltpu.SemaphoreType.DMA,
          pltpu.SemaphoreType.DMA,
          pltpu.SemaphoreType.DMA,
          pltpu.SemaphoreType.DMA,
          pltpu.SemaphoreType.DMA,
          pltpu.SemaphoreType.DMA,
      ],
  )
  def k(fi_hbm, tab_hbm, msk_hbm, oemb, omsk, tbuf, fi_v, mvmem, mout,
        outsem0, outsem1, outsem2, outsem3, outsem4, outsem5, outsem6,
        outsem7, auxsem):
    outsems = (outsem0, outsem1, outsem2, outsem3, outsem4, outsem5, outsem6,
               outsem7)
    wid = lax.axis_index("s") * NUM_CORES + lax.axis_index("c")
    base = wid * BPW
    pltpu.sync_copy(fi_hbm.at[pl.ds(base, BPW)], fi_v)
    pltpu.async_copy(tab_hbm.at[pl.ds(0, TABW)], tbuf, auxsem)
    pltpu.sync_copy(msk_hbm, mvmem)
    pltpu.make_async_copy(tab_hbm.at[pl.ds(0, TABW)], tbuf, auxsem).wait()

    @pl.loop(0, BPW, step=G)
    def _(b0):
      svec = fi_v[pl.ds(b0, G)] * HIDDEN
      dstb = (base + b0) * BLK
      for t in range(G):
        pltpu.async_copy(tbuf.at[pl.ds(pl.multiple_of(svec[t], HIDDEN), BLK)],
                         oemb.at[pl.ds(dstb + t * BLK, BLK)], outsems[t % 8])

    @pl.loop(0, BPW, step=G)
    def _(b0):
      fvec = fi_v[pl.ds(b0, G)]
      for t in range(G):
        mout[pl.ds((b0 + t) * MAX_ATTACH, MAX_ATTACH)] = (
            mvmem[pl.ds(fvec[t] * MAX_ATTACH, MAX_ATTACH)])

    @pl.loop(0, BPW, step=G)
    def _(b0):
      for s in range(8):
        pltpu.make_async_copy(tab_hbm.at[pl.ds(0, GBLK // 8)],
                              oemb.at[pl.ds(0, GBLK // 8)], outsems[s]).wait()

    pltpu.async_copy(mout, omsk.at[pl.ds(base * MAX_ATTACH, BPW * MAX_ATTACH)],
                     auxsem).wait()

  return k(fragment_idx, attach_table.reshape(-1), attach_mask.reshape(-1))


def kernel(fragment_idx, attach_table, attach_mask):
  fi = fragment_idx
  if fi.ndim == 0:
    fi = fi[None]
  fi = fi.astype(jnp.int32)
  emb_flat, mask_flat = _fragment_gather(fi, attach_table, attach_mask)
  emb = emb_flat.reshape(BATCH, MAX_ATTACH, HIDDEN)
  return emb, mask_flat.reshape(BATCH, MAX_ATTACH)

# --- scband reference (transcript-rebuilt; emitter-appended) ---
"""Pipeline reference for scband-fragment-embeddings-47244640256181 (READ-ONLY COPY).

The authoritative reference and input builder live on the scoring server;
editing this copy changes nothing except your own understanding.
"""

import jax, jax.numpy as jnp
import numpy as np

NUM_FRAGMENTS = 128
MAX_ATTACH = 16
HIDDEN = 128
BATCH = 16384


def setup_inputs(seed: int = 0) -> dict:
    key = jax.random.key(seed)
    k1, k2 = jax.random.split(key, 2)
    # forward arg
    fragment_idx = jax.random.randint(k1, (BATCH,), 0, NUM_FRAGMENTS)
    # learned params: attachment embedding table [max_attachement * num_fragments, hidden]
    attach_table = jax.random.normal(k2, (MAX_ATTACH * NUM_FRAGMENTS, HIDDEN), dtype=jnp.float32) * 0.02
    # buffer: attachement_mask -- initialized to ones, then rows [:n_i] set to 1 (so all ones, faithful to source)
    nums = np.tile(np.array([4, 8, 12, 16], dtype=np.int64), NUM_FRAGMENTS // 4)
    mask = np.ones((NUM_FRAGMENTS, MAX_ATTACH), dtype=np.float32)
    for i in range(NUM_FRAGMENTS):
        mask[i, : int(nums[i])] = 1.0
    attach_mask = jnp.asarray(mask)
    return {"fragment_idx": fragment_idx, "attach_table": attach_table, "attach_mask": attach_mask}


def reference(fragment_idx, attach_table, attach_mask):
    # Faithful translation of FragmentEmbeddings.get_all_attachements
    fi = fragment_idx
    if fi.ndim == 0:
        fi = fi[None]
    # indexing = fragment_idx.unsqueeze(-1).expand(*shape, max_att) + arange(max_att)
    indexing = fi[..., None] + jnp.arange(MAX_ATTACH, dtype=fi.dtype)
    emb = jnp.take(attach_table, indexing, axis=0)
    mask_out = jnp.take(attach_mask, fi, axis=0)
    return emb, mask_out

if __name__ == "__main__":
    import jax
    _d = setup_inputs()
    print(jax.jit(kernel)(*tuple(_d.values())))

</pallas_src>

<mosaic_0001>
#map = affine_map<(d0, d1) -> (0)>
module attributes {stable_mosaic.version = 14 : i64} {
  func.func @k(%arg0: i32, %arg1: i32, %arg2: memref<16384xi32, #tpu.memory_space<hbm>>, %arg3: memref<262144xf32, #tpu.memory_space<hbm>>, %arg4: memref<2048xf32, #tpu.memory_space<hbm>>, %arg5: memref<33554432xf32, #tpu.memory_space<hbm>>, %arg6: memref<262144xf32, #tpu.memory_space<hbm>>, %arg7: memref<18432xf32, #tpu.memory_space<vmem>>, %arg8: memref<512xi32, #tpu.memory_space<vmem>>, %arg9: memref<2048xf32, #tpu.memory_space<vmem>>, %arg10: memref<8192xf32, #tpu.memory_space<vmem>>, %arg11: memref<!tpu.dma_semaphore, #tpu.memory_space<semaphore_mem>>, %arg12: memref<!tpu.dma_semaphore, #tpu.memory_space<semaphore_mem>>, %arg13: memref<!tpu.dma_semaphore, #tpu.memory_space<semaphore_mem>>, %arg14: memref<!tpu.dma_semaphore, #tpu.memory_space<semaphore_mem>>, %arg15: memref<!tpu.dma_semaphore, #tpu.memory_space<semaphore_mem>>, %arg16: memref<!tpu.dma_semaphore, #tpu.memory_space<semaphore_mem>>, %arg17: memref<!tpu.dma_semaphore, #tpu.memory_space<semaphore_mem>>, %arg18: memref<!tpu.dma_semaphore, #tpu.memory_space<semaphore_mem>>, %arg19: memref<!tpu.dma_semaphore, #tpu.memory_space<semaphore_mem>>) attributes {dimension_semantics = [#tpu.dimension_semantics<core_parallel>, #tpu.dimension_semantics<subcore_parallel>], iteration_bounds = array<i64: 2, 16>, scalar_prefetch = 0 : i64, scratch_operands = 13 : i64, tpu.core_type = #tpu.core_type<sc_vector_subcore>, window_params = [{transform_indices = #map}, {transform_indices = #map}, {transform_indices = #map}, {transform_indices = #map}, {transform_indices = #map}]} {
    %mul3A = arith.constant 2 : i32
    %mul3A_0 = arith.muli %arg1, %mul3A : i32
    %add3A = arith.addi %mul3A_0, %arg0 : i32
    %mul3A_1 = arith.constant 512 : i32
    %mul3A_2 = arith.muli %add3A, %mul3A_1 : i32
    "tpu.region"() ({
      %run_scoped3A = tpu.sem_alloc : memref<!tpu.dma_semaphore, #tpu.memory_space<semaphore_mem>>
      %dma_start3A_29 = tpu.memref_slice %arg2[%mul3A_2] : memref<16384xi32, #tpu.memory_space<hbm>> -> memref<512xi32, #tpu.memory_space<hbm>>
      %dma_start3A_30 = tpu.memref_slice %arg2[%mul3A_2] : memref<16384xi32, #tpu.memory_space<hbm>> -> memref<512xi32, #tpu.memory_space<hbm>>
      tpu.enqueue_dma source(%dma_start3A_30 : memref<512xi32, #tpu.memory_space<hbm>>) target(%arg8 : memref<512xi32, #tpu.memory_space<vmem>>) target_semaphore(%run_scoped3A : memref<!tpu.dma_semaphore, #tpu.memory_space<semaphore_mem>>)
      %dma_wait3A_31 = tpu.memref_slice %arg2[%mul3A_2] : memref<16384xi32, #tpu.memory_space<hbm>> -> memref<512xi32, #tpu.memory_space<hbm>>
      %dma_wait3A_32 = tpu.memref_slice %arg2[%mul3A_2] : memref<16384xi32, #tpu.memory_space<hbm>> -> memref<512xi32, #tpu.memory_space<hbm>>
      tpu.wait_dma2 semaphore(%run_scoped3A : memref<!tpu.dma_semaphore, #tpu.memory_space<semaphore_mem>>) src(%dma_wait3A_32 : memref<512xi32, #tpu.memory_space<hbm>>) dst(%arg8 : memref<512xi32, #tpu.memory_space<vmem>>)
      tpu.yield
    }) : () -> ()
    %dma_start3A = arith.constant 0 : i32
    %dma_start3A_3 = tpu.memref_slice %arg3[%dma_start3A] : memref<262144xf32, #tpu.memory_space<hbm>> -> memref<18432xf32, #tpu.memory_space<hbm>>
    %dma_start3A_4 = arith.constant 0 : i32
    %dma_start3A_5 = tpu.memref_slice %arg3[%dma_start3A_4] : memref<262144xf32, #tpu.memory_space<hbm>> -> memref<18432xf32, #tpu.memory_space<hbm>>
    tpu.enqueue_dma source(%dma_start3A_5 : memref<18432xf32, #tpu.memory_space<hbm>>) target(%arg7 : memref<18432xf32, #tpu.memory_space<vmem>>) target_semaphore(%arg19 : memref<!tpu.dma_semaphore, #tpu.memory_space<semaphore_mem>>)
    "tpu.region"() ({
      %run_scoped3A = tpu.sem_alloc : memref<!tpu.dma_semaphore, #tpu.memory_space<semaphore_mem>>
      tpu.enqueue_dma source(%arg4 : memref<2048xf32, #tpu.memory_space<hbm>>) target(%arg9 : memref<2048xf32, #tpu.memory_space<vmem>>) target_semaphore(%run_scoped3A : memref<!tpu.dma_semaphore, #tpu.memory_space<semaphore_mem>>)
      tpu.wait_dma2 semaphore(%run_scoped3A : memref<!tpu.dma_semaphore, #tpu.memory_space<semaphore_mem>>) src(%arg4 : memref<2048xf32, #tpu.memory_space<hbm>>) dst(%arg9 : memref<2048xf32, #tpu.memory_space<vmem>>)
      tpu.yield
    }) : () -> ()
    %dma_wait3A = arith.constant 0 : i32
    %dma_wait3A_6 = tpu.memref_slice %arg3[%dma_wait3A] : memref<262144xf32, #tpu.memory_space<hbm>> -> memref<18432xf32, #tpu.memory_space<hbm>>
    %dma_wait3A_7 = arith.constant 0 : i32
    %dma_wait3A_8 = tpu.memref_slice %arg3[%dma_wait3A_7] : memref<262144xf32, #tpu.memory_space<hbm>> -> memref<18432xf32, #tpu.memory_space<hbm>>
    tpu.wait_dma2 semaphore(%arg19 : memref<!tpu.dma_semaphore, #tpu.memory_space<semaphore_mem>>) src(%dma_wait3A_8 : memref<18432xf32, #tpu.memory_space<hbm>>) dst(%arg7 : memref<18432xf32, #tpu.memory_space<vmem>>)
    %scan3A = arith.constant 0 : i32
    %scan3A_9 = arith.constant 32 : i32
    %scan3A_10 = arith.addi %scan3A, %scan3A_9 : i32
    %scan3A_11 = arith.constant 1 : i32
    scf.for %scan3A_29 = %scan3A to %scan3A_10 step %scan3A_11  : i32 {
      %mul3A_30 = arith.constant 16 : i32
      %mul3A_31 = arith.muli %scan3A_29, %mul3A_30 : i32
      %add3A_32 = arith.constant 0 : i32
      %add3A_33 = arith.addi %add3A_32, %mul3A_31 : i32
      %get3A = arith.index_cast %add3A_33 : i32 to index
      %get3A_34 = tpu.vector_load %arg8[%get3A] {strides = array<i32>} : memref<512xi32, #tpu.memory_space<vmem>>, vector<16xi32>,
      %get3A_35 = vector.shape_cast %get3A_34 : vector<16xi32> to vector<16xi32>
      %mul3A_36 = arith.constant 128 : i32
      %mul3A_37 = vector.broadcast %mul3A_36 : i32 to vector<16xi32>
      %mul3A_38 = arith.muli %get3A_35, %mul3A_37 : vector<16xi32>
      %add3A_39 = arith.addi %mul3A_2, %add3A_33 : i32
      %mul3A_40 = arith.constant 2048 : i32
      %mul3A_41 = arith.muli %add3A_39, %mul3A_40 : i32
      %slice3A = vector.extract_strided_slice %mul3A_38 {offsets = [0], sizes = [1], strides = [1]} : vector<16xi32> to vector<1xi32>
      %squeeze3A = vector.extract %slice3A[0] : i32 from vector<1xi32>
      %multiple_of3A = tpu.assume_multiple %squeeze3A, 128 : i32
      %add3A_42 = arith.constant 0 : i32
      %add3A_43 = arith.addi %mul3A_41, %add3A_42 : i32
      %dma_start3A_44 = tpu.memref_slice %arg7[%multiple_of3A] : memref<18432xf32, #tpu.memory_space<vmem>> -> memref<2048xf32, #tpu.memory_space<vmem>>
      %dma_start3A_45 = tpu.memref_slice %arg5[%add3A_43] : memref<33554432xf32, #tpu.memory_space<hbm>> -> memref<2048xf32, #tpu.memory_space<hbm>>
      %dma_start3A_46 = tpu.memref_slice %arg5[%add3A_43] : memref<33554432xf32, #tpu.memory_space<hbm>> -> memref<2048xf32, #tpu.memory_space<hbm>>
      %dma_start3A_47 = tpu.memref_slice %arg7[%multiple_of3A] : memref<18432xf32, #tpu.memory_space<vmem>> -> memref<2048xf32, #tpu.memory_space<vmem>>
      tpu.enqueue_dma source(%dma_start3A_47 : memref<2048xf32, #tpu.memory_space<vmem>>) target(%dma_start3A_46 : memref<2048xf32, #tpu.memory_space<hbm>>) target_semaphore(%arg11 : memref<!tpu.dma_semaphore, #tpu.memory_space<semaphore_mem>>)
      %slice3A_48 = vector.extract_strided_slice %mul3A_38 {offsets = [1], sizes = [1], strides = [1]} : vector<16xi32> to vector<1xi32>
      %squeeze3A_49 = vector.extract %slice3A_48[0] : i32 from vector<1xi32>
      %multiple_of3A_50 = tpu.assume_multiple %squeeze3A_49, 128 : i32
      %add3A_51 = arith.constant 2048 : i32
      %add3A_52 = arith.addi %mul3A_41, %add3A_51 : i32
      %dma_start3A_53 = tpu.memref_slice %arg7[%multiple_of3A_50] : memref<18432xf32, #tpu.memory_space<vmem>> -> memref<2048xf32, #tpu.memory_space<vmem>>
      %dma_start3A_54 = tpu.memref_slice %arg5[%add3A_52] : memref<33554432xf32, #tpu.memory_space<hbm>> -> memref<2048xf32, #tpu.memory_space<hbm>>
      %dma_start3A_55 = tpu.memref_slice %arg5[%add3A_52] : memref<33554432xf32, #tpu.memory_space<hbm>> -> memref<2048xf32, #tpu.memory_space<hbm>>
      %dma_start3A_56 = tpu.memref_slice %arg7[%multiple_of3A_50] : memref<18432xf32, #tpu.memory_space<vmem>> -> memref<2048xf32, #tpu.memory_space<vmem>>
      tpu.enqueue_dma source(%dma_start3A_56 : memref<2048xf32, #tpu.memory_space<vmem>>) target(%dma_start3A_55 : memref<2048xf32, #tpu.memory_space<hbm>>) target_semaphore(%arg12 : memref<!tpu.dma_semaphore, #tpu.memory_space<semaphore_mem>>)
      %slice3A_57 = vector.extract_strided_slice %mul3A_38 {offsets = [2], sizes = [1], strides = [1]} : vector<16xi32> to vector<1xi32>
      %squeeze3A_58 = vector.extract %slice3A_57[0] : i32 from vector<1xi32>
      %multiple_of3A_59 = tpu.assume_multiple %squeeze3A_58, 128 : i32
      %add3A_60 = arith.constant 4096 : i32
      %add3A_61 = arith.addi %mul3A_41, %add3A_60 : i32
      %dma_start3A_62 = tpu.memref_slice %arg7[%multiple_of3A_59] : memref<18432xf32, #tpu.memory_space<vmem>> -> memref<2048xf32, #tpu.memory_space<vmem>>
      %dma_start3A_63 = tpu.memref_slice %arg5[%add3A_61] : memref<33554432xf32, #tpu.memory_space<hbm>> -> memref<2048xf32, #tpu.memory_space<hbm>>
      %dma_start3A_64 = tpu.memref_slice %arg5[%add3A_61] : memref<33554432xf32, #tpu.memory_space<hbm>> -> memref<2048xf32, #tpu.memory_space<hbm>>
      %dma_start3A_65 = tpu.memref_slice %arg7[%multiple_of3A_59] : memref<18432xf32, #tpu.memory_space<vmem>> -> memref<2048xf32, #tpu.memory_space<vmem>>
      tpu.enqueue_dma source(%dma_start3A_65 : memref<2048xf32, #tpu.memory_space<vmem>>) target(%dma_start3A_64 : memref<2048xf32, #tpu.memory_space<hbm>>) target_semaphore(%arg13 : memref<!tpu.dma_semaphore, #tpu.memory_space<semaphore_mem>>)
      %slice3A_66 = vector.extract_strided_slice %mul3A_38 {offsets = [3], sizes = [1], strides = [1]} : vector<16xi32> to vector<1xi32>
      %squeeze3A_67 = vector.extract %slice3A_66[0] : i32 from vector<1xi32>
      %multiple_of3A_68 = tpu.assume_multiple %squeeze3A_67, 128 : i32
      %add3A_69 = arith.constant 6144 : i32
      %add3A_70 = arith.addi %mul3A_41, %add3A_69 : i32
      %dma_start3A_71 = tpu.memref_slice %arg7[%multiple_of3A_68] : memref<18432xf32, #tpu.memory_space<vmem>> -> memref<2048xf32, #tpu.memory_space<vmem>>
      %dma_start3A_72 = tpu.memref_slice %arg5[%add3A_70] : memref<33554432xf32, #tpu.memory_space<hbm>> -> memref<2048xf32, #tpu.memory_space<hbm>>
      %dma_start3A_73 = tpu.memref_slice %arg5[%add3A_70] : memref<33554432xf32, #tpu.memory_space<hbm>> -> memref<2048xf32, #tpu.memory_space<hbm>>
      %dma_start3A_74 = tpu.memref_slice %arg7[%multiple_of3A_68] : memref<18432xf32, #tpu.memory_space<vmem>> -> memref<2048xf32, #tpu.memory_space<vmem>>
      tpu.enqueue_dma source(%dma_start3A_74 : memref<2048xf32, #tpu.memory_space<vmem>>) target(%dma_start3A_73 : memref<2048xf32, #tpu.memory_space<hbm>>) target_semaphore(%arg14 : memref<!tpu.dma_semaphore, #tpu.memory_space<semaphore_mem>>)
      %slice3A_75 = vector.extract_strided_slice %mul3A_38 {offsets = [4], sizes = [1], strides = [1]} : vector<16xi32> to vector<1xi32>
      %squeeze3A_76 = vector.extract %slice3A_75[0] : i32 from vector<1xi32>
      %multiple_of3A_77 = tpu.assume_multiple %squeeze3A_76, 128 : i32
      %add3A_78 = arith.constant 8192 : i32
      %add3A_79 = arith.addi %mul3A_41, %add3A_78 : i32
      %dma_start3A_80 = tpu.memref_slice %arg7[%multiple_of3A_77] : memref<18432xf32, #tpu.memory_space<vmem>> -> memref<2048xf32, #tpu.memory_space<vmem>>
      %dma_start3A_81 = tpu.memref_slice %arg5[%add3A_79] : memref<33554432xf32, #tpu.memory_space<hbm>> -> memref<2048xf32, #tpu.memory_space<hbm>>
      %dma_start3A_82 = tpu.memref_slice %arg5[%add3A_79] : memref<33554432xf32, #tpu.memory_space<hbm>> -> memref<2048xf32, #tpu.memory_space<hbm>>
      %dma_start3A_83 = tpu.memref_slice %arg7[%multiple_of3A_77] : memref<18432xf32, #tpu.memory_space<vmem>> -> memref<2048xf32, #tpu.memory_space<vmem>>
      tpu.enqueue_dma source(%dma_start3A_83 : memref<2048xf32, #tpu.memory_space<vmem>>) target(%dma_start3A_82 : memref<2048xf32, #tpu.memory_space<hbm>>) target_semaphore(%arg15 : memref<!tpu.dma_semaphore, #tpu.memory_space<semaphore_mem>>)
      %slice3A_84 = vector.extract_strided_slice %mul3A_38 {offsets = [5], sizes = [1], strides = [1]} : vector<16xi32> to vector<1xi32>
      %squeeze3A_85 = vector.extract %slice3A_84[0] : i32 from vector<1xi32>
      %multiple_of3A_86 = tpu.assume_multiple %squeeze3A_85, 128 : i32
      %add3A_87 = arith.constant 10240 : i32
      %add3A_88 = arith.addi %mul3A_41, %add3A_87 : i32
      %dma_start3A_89 = tpu.memref_slice %arg7[%multiple_of3A_86] : memref<18432xf32, #tpu.memory_space<vmem>> -> memref<2048xf32, #tpu.memory_space<vmem>>
      %dma_start3A_90 = tpu.memref_slice %arg5[%add3A_88] : memref<33554432xf32, #tpu.memory_space<hbm>> -> memref<2048xf32, #tpu.memory_space<hbm>>
      %dma_start3A_91 = tpu.memref_slice %arg5[%add3A_88] : memref<33554432xf32, #tpu.memory_space<hbm>> -> memref<2048xf32, #tpu.memory_space<hbm>>
      %dma_start3A_92 = tpu.memref_slice %arg7[%multiple_of3A_86] : memref<18432xf32, #tpu.memory_space<vmem>> -> memref<2048xf32, #tpu.memory_space<vmem>>
      tpu.enqueue_dma source(%dma_start3A_92 : memref<2048xf32, #tpu.memory_space<vmem>>) target(%dma_start3A_91 : memref<2048xf32, #tpu.memory_space<hbm>>) target_semaphore(%arg16 : memref<!tpu.dma_semaphore, #tpu.memory_space<semaphore_mem>>)
      %slice3A_93 = vector.extract_strided_slice %mul3A_38 {offsets = [6], sizes = [1], strides = [1]} : vector<16xi32> to vector<1xi32>
      %squeeze3A_94 = vector.extract %slice3A_93[0] : i32 from vector<1xi32>
      %multiple_of3A_95 = tpu.assume_multiple %squeeze3A_94, 128 : i32
      %add3A_96 = arith.constant 12288 : i32
      %add3A_97 = arith.addi %mul3A_41, %add3A_96 : i32
      %dma_start3A_98 = tpu.memref_slice %arg7[%multiple_of3A_95] : memref<18432xf32, #tpu.memory_space<vmem>> -> memref<2048xf32, #tpu.memory_space<vmem>>
      %dma_start3A_99 = tpu.memref_slice %arg5[%add3A_97] : memref<33554432xf32, #tpu.memory_space<hbm>> -> memref<2048xf32, #tpu.memory_space<hbm>>
      %dma_start3A_100 = tpu.memref_slice %arg5[%add3A_97] : memref<33554432xf32, #tpu.memory_space<hbm>> -> memref<2048xf32, #tpu.memory_space<hbm>>
      %dma_start3A_101 = tpu.memref_slice %arg7[%multiple_of3A_95] : memref<18432xf32, #tpu.memory_space<vmem>> -> memref<2048xf32, #tpu.memory_space<vmem>>
      tpu.enqueue_dma source(%dma_start3A_101 : memref<2048xf32, #tpu.memory_space<vmem>>) target(%dma_start3A_100 : memref<2048xf32, #tpu.memory_space<hbm>>) target_semaphore(%arg17 : memref<!tpu.dma_semaphore, #tpu.memory_space<semaphore_mem>>)
      %slice3A_102 = vector.extract_strided_slice %mul3A_38 {offsets = [7], sizes = [1], strides = [1]} : vector<16xi32> to vector<1xi32>
      %squeeze3A_103 = vector.extract %slice3A_102[0] : i32 from vector<1xi32>
      %multiple_of3A_104 = tpu.assume_multiple %squeeze3A_103, 128 : i32
      %add3A_105 = arith.constant 14336 : i32
      %add3A_106 = arith.addi %mul3A_41, %add3A_105 : i32
      %dma_start3A_107 = tpu.memref_slice %arg7[%multiple_of3A_104] : memref<18432xf32, #tpu.memory_space<vmem>> -> memref<2048xf32, #tpu.memory_space<vmem>>
      %dma_start3A_108 = tpu.memref_slice %arg5[%add3A_106] : memref<33554432xf32, #tpu.memory_space<hbm>> -> memref<2048xf32, #tpu.memory_space<hbm>>
      %dma_start3A_109 = tpu.memref_slice %arg5[%add3A_106] : memref<33554432xf32, #tpu.memory_space<hbm>> -> memref<2048xf32, #tpu.memory_space<hbm>>
      %dma_start3A_110 = tpu.memref_slice %arg7[%multiple_of3A_104] : memref<18432xf32, #tpu.memory_space<vmem>> -> memref<2048xf32, #tpu.memory_space<vmem>>
      tpu.enqueue_dma source(%dma_start3A_110 : memref<2048xf32, #tpu.memory_space<vmem>>) target(%dma_start3A_109 : memref<2048xf32, #tpu.memory_space<hbm>>) target_semaphore(%arg18 : memref<!tpu.dma_semaphore, #tpu.memory_space<semaphore_mem>>)
      %slice3A_111 = vector.extract_strided_slice %mul3A_38 {offsets = [8], sizes = [1], strides = [1]} : vector<16xi32> to vector<1xi32>
      %squeeze3A_112 = vector.extract %slice3A_111[0] : i32 from vector<1xi32>
      %multiple_of3A_113 = tpu.assume_multiple %squeeze3A_112, 128 : i32
      %add3A_114 = arith.constant 16384 : i32
      %add3A_115 = arith.addi %mul3A_41, %add3A_114 : i32
      %dma_start3A_116 = tpu.memref_slice %arg7[%multiple_of3A_113] : memref<18432xf32, #tpu.memory_space<vmem>> -> memref<2048xf32, #tpu.memory_space<vmem>>
      %dma_start3A_117 = tpu.memref_slice %arg5[%add3A_115] : memref<33554432xf32, #tpu.memory_space<hbm>> -> memref<2048xf32, #tpu.memory_space<hbm>>
      %dma_start3A_118 = tpu.memref_slice %arg5[%add3A_115] : memref<33554432xf32, #tpu.memory_space<hbm>> -> memref<2048xf32, #tpu.memory_space<hbm>>
      %dma_start3A_119 = tpu.memref_slice %arg7[%multiple_of3A_113] : memref<18432xf32, #tpu.memory_space<vmem>> -> memref<2048xf32, #tpu.memory_space<vmem>>
      tpu.enqueue_dma source(%dma_start3A_119 : memref<2048xf32, #tpu.memory_space<vmem>>) target(%dma_start3A_118 : memref<2048xf32, #tpu.memory_space<hbm>>) target_semaphore(%arg11 : memref<!tpu.dma_semaphore, #tpu.memory_space<semaphore_mem>>)
      %slice3A_120 = vector.extract_strided_slice %mul3A_38 {offsets = [9], sizes = [1], strides = [1]} : vector<16xi32> to vector<1xi32>
      %squeeze3A_121 = vector.extract %slice3A_120[0] : i32 from vector<1xi32>
      %multiple_of3A_122 = tpu.assume_multiple %squeeze3A_121, 128 : i32
      %add3A_123 = arith.constant 18432 : i32
      %add3A_124 = arith.addi %mul3A_41, %add3A_123 : i32
      %dma_start3A_125 = tpu.memref_slice %arg7[%multiple_of3A_122] : memref<18432xf32, #tpu.memory_space<vmem>> -> memref<2048xf32, #tpu.memory_space<vmem>>
      %dma_start3A_126 = tpu.memref_slice %arg5[%add3A_124] : memref<33554432xf32, #tpu.memory_space<hbm>> -> memref<2048xf32, #tpu.memory_space<hbm>>
      %dma_start3A_127 = tpu.memref_slice %arg5[%add3A_124] : memref<33554432xf32, #tpu.memory_space<hbm>> -> memref<2048xf32, #tpu.memory_space<hbm>>
      %dma_start3A_128 = tpu.memref_slice %arg7[%multiple_of3A_122] : memref<18432xf32, #tpu.memory_space<vmem>> -> memref<2048xf32, #tpu.memory_space<vmem>>
      tpu.enqueue_dma source(%dma_start3A_128 : memref<2048xf32, #tpu.memory_space<vmem>>) target(%dma_start3A_127 : memref<2048xf32, #tpu.memory_space<hbm>>) target_semaphore(%arg12 : memref<!tpu.dma_semaphore, #tpu.memory_space<semaphore_mem>>)
      %slice3A_129 = vector.extract_strided_slice %mul3A_38 {offsets = [10], sizes = [1], strides = [1]} : vector<16xi32> to vector<1xi32>
      %squeeze3A_130 = vector.extract %slice3A_129[0] : i32 from vector<1xi32>
      %multiple_of3A_131 = tpu.assume_multiple %squeeze3A_130, 128 : i32
      %add3A_132 = arith.constant 20480 : i32
      %add3A_133 = arith.addi %mul3A_41, %add3A_132 : i32
      %dma_start3A_134 = tpu.memref_slice %arg7[%multiple_of3A_131] : memref<18432xf32, #tpu.memory_space<vmem>> -> memref<2048xf32, #tpu.memory_space<vmem>>
      %dma_start3A_135 = tpu.memref_slice %arg5[%add3A_133] : memref<33554432xf32, #tpu.memory_space<hbm>> -> memref<2048xf32, #tpu.memory_space<hbm>>
      %dma_start3A_136 = tpu.memref_slice %arg5[%add3A_133] : memref<33554432xf32, #tpu.memory_space<hbm>> -> memref<2048xf32, #tpu.memory_space<hbm>>
      %dma_start3A_137 = tpu.memref_slice %arg7[%multiple_of3A_131] : memref<18432xf32, #tpu.memory_space<vmem>> -> memref<2048xf32, #tpu.memory_space<vmem>>
      tpu.enqueue_dma source(%dma_start3A_137 : memref<2048xf32, #tpu.memory_space<vmem>>) target(%dma_start3A_136 : memref<2048xf32, #tpu.memory_space<hbm>>) target_semaphore(%arg13 : memref<!tpu.dma_semaphore, #tpu.memory_space<semaphore_mem>>)
      %slice3A_138 = vector.extract_strided_slice %mul3A_38 {offsets = [11], sizes = [1], strides = [1]} : vector<16xi32> to vector<1xi32>
      %squeeze3A_139 = vector.extract %slice3A_138[0] : i32 from vector<1xi32>
      %multiple_of3A_140 = tpu.assume_multiple %squeeze3A_139, 128 : i32
      %add3A_141 = arith.constant 22528 : i32
      %add3A_142 = arith.addi %mul3A_41, %add3A_141 : i32
      %dma_start3A_143 = tpu.memref_slice %arg7[%multiple_of3A_140] : memref<18432xf32, #tpu.memory_space<vmem>> -> memref<2048xf32, #tpu.memory_space<vmem>>
      %dma_start3A_144 = tpu.memref_slice %arg5[%add3A_142] : memref<33554432xf32, #tpu.memory_space<hbm>> -> memref<2048xf32, #tpu.memory_space<hbm>>
      %dma_start3A_145 = tpu.memref_slice %arg5[%add3A_142] : memref<33554432xf32, #tpu.memory_space<hbm>> -> memref<2048xf32, #tpu.memory_space<hbm>>
      %dma_start3A_146 = tpu.memref_slice %arg7[%multiple_of3A_140] : memref<18432xf32, #tpu.memory_space<vmem>> -> memref<2048xf32, #tpu.memory_space<vmem>>
      tpu.enqueue_dma source(%dma_start3A_146 : memref<2048xf32, #tpu.memory_space<vmem>>) target(%dma_start3A_145 : memref<2048xf32, #tpu.memory_space<hbm>>) target_semaphore(%arg14 : memref<!tpu.dma_semaphore, #tpu.memory_space<semaphore_mem>>)
      %slice3A_147 = vector.extract_strided_slice %mul3A_38 {offsets = [12], sizes = [1], strides = [1]} : vector<16xi32> to vector<1xi32>
      %squeeze3A_148 = vector.extract %slice3A_147[0] : i32 from vector<1xi32>
      %multiple_of3A_149 = tpu.assume_multiple %squeeze3A_148, 128 : i32
      %add3A_150 = arith.constant 24576 : i32
      %add3A_151 = arith.addi %mul3A_41, %add3A_150 : i32
      %dma_start3A_152 = tpu.memref_slice %arg7[%multiple_of3A_149] : memref<18432xf32, #tpu.memory_space<vmem>> -> memref<2048xf32, #tpu.memory_space<vmem>>
      %dma_start3A_153 = tpu.memref_slice %arg5[%add3A_151] : memref<33554432xf32, #tpu.memory_space<hbm>> -> memref<2048xf32, #tpu.memory_space<hbm>>
      %dma_start3A_154 = tpu.memref_slice %arg5[%add3A_151] : memref<33554432xf32, #tpu.memory_space<hbm>> -> memref<2048xf32, #tpu.memory_space<hbm>>
      %dma_start3A_155 = tpu.memref_slice %arg7[%multiple_of3A_149] : memref<18432xf32, #tpu.memory_space<vmem>> -> memref<2048xf32, #tpu.memory_space<vmem>>
      tpu.enqueue_dma source(%dma_start3A_155 : memref<2048xf32, #tpu.memory_space<vmem>>) target(%dma_start3A_154 : memref<2048xf32, #tpu.memory_space<hbm>>) target_semaphore(%arg15 : memref<!tpu.dma_semaphore, #tpu.memory_space<semaphore_mem>>)
      %slice3A_156 = vector.extract_strided_slice %mul3A_38 {offsets = [13], sizes = [1], strides = [1]} : vector<16xi32> to vector<1xi32>
      %squeeze3A_157 = vector.extract %slice3A_156[0] : i32 from vector<1xi32>
      %multiple_of3A_158 = tpu.assume_multiple %squeeze3A_157, 128 : i32
      %add3A_159 = arith.constant 26624 : i32
      %add3A_160 = arith.addi %mul3A_41, %add3A_159 : i32
      %dma_start3A_161 = tpu.memref_slice %arg7[%multiple_of3A_158] : memref<18432xf32, #tpu.memory_space<vmem>> -> memref<2048xf32, #tpu.memory_space<vmem>>
      %dma_start3A_162 = tpu.memref_slice %arg5[%add3A_160] : memref<33554432xf32, #tpu.memory_space<hbm>> -> memref<2048xf32, #tpu.memory_space<hbm>>
      %dma_start3A_163 = tpu.memref_slice %arg5[%add3A_160] : memref<33554432xf32, #tpu.memory_space<hbm>> -> memref<2048xf32, #tpu.memory_space<hbm>>
      %dma_start3A_164 = tpu.memref_slice %arg7[%multiple_of3A_158] : memref<18432xf32, #tpu.memory_space<vmem>> -> memref<2048xf32, #tpu.memory_space<vmem>>
      tpu.enqueue_dma source(%dma_start3A_164 : memref<2048xf32, #tpu.memory_space<vmem>>) target(%dma_start3A_163 : memref<2048xf32, #tpu.memory_space<hbm>>) target_semaphore(%arg16 : memref<!tpu.dma_semaphore, #tpu.memory_space<semaphore_mem>>)
      %slice3A_165 = vector.extract_strided_slice %mul3A_38 {offsets = [14], sizes = [1], strides = [1]} : vector<16xi32> to vector<1xi32>
      %squeeze3A_166 = vector.extract %slice3A_165[0] : i32 from vector<1xi32>
      %multiple_of3A_167 = tpu.assume_multiple %squeeze3A_166, 128 : i32
      %add3A_168 = arith.constant 28672 : i32
      %add3A_169 = arith.addi %mul3A_41, %add3A_168 : i32
      %dma_start3A_170 = tpu.memref_slice %arg7[%multiple_of3A_167] : memref<18432xf32, #tpu.memory_space<vmem>> -> memref<2048xf32, #tpu.memory_space<vmem>>
      %dma_start3A_171 = tpu.memref_slice %arg5[%add3A_169] : memref<33554432xf32, #tpu.memory_space<hbm>> -> memref<2048xf32, #tpu.memory_space<hbm>>
      %dma_start3A_172 = tpu.memref_slice %arg5[%add3A_169] : memref<33554432xf32, #tpu.memory_space<hbm>> -> memref<2048xf32, #tpu.memory_space<hbm>>
      %dma_start3A_173 = tpu.memref_slice %arg7[%multiple_of3A_167] : memref<18432xf32, #tpu.memory_space<vmem>> -> memref<2048xf32, #tpu.memory_space<vmem>>
      tpu.enqueue_dma source(%dma_start3A_173 : memref<2048xf32, #tpu.memory_space<vmem>>) target(%dma_start3A_172 : memref<2048xf32, #tpu.memory_space<hbm>>) target_semaphore(%arg17 : memref<!tpu.dma_semaphore, #tpu.memory_space<semaphore_mem>>)
      %slice3A_174 = vector.extract_strided_slice %mul3A_38 {offsets = [15], sizes = [1], strides = [1]} : vector<16xi32> to vector<1xi32>
      %squeeze3A_175 = vector.extract %slice3A_174[0] : i32 from vector<1xi32>
      %multiple_of3A_176 = tpu.assume_multiple %squeeze3A_175, 128 : i32
      %add3A_177 = arith.constant 30720 : i32
      %add3A_178 = arith.addi %mul3A_41, %add3A_177 : i32
      %dma_start3A_179 = tpu.memref_slice %arg7[%multiple_of3A_176] : memref<18432xf32, #tpu.memory_space<vmem>> -> memref<2048xf32, #tpu.memory_space<vmem>>
      %dma_start3A_180 = tpu.memref_slice %arg5[%add3A_178] : memref<33554432xf32, #tpu.memory_space<hbm>> -> memref<2048xf32, #tpu.memory_space<hbm>>
      %dma_start3A_181 = tpu.memref_slice %arg5[%add3A_178] : memref<33554432xf32, #tpu.memory_space<hbm>> -> memref<2048xf32, #tpu.memory_space<hbm>>
      %dma_start3A_182 = tpu.memref_slice %arg7[%multiple_of3A_176] : memref<18432xf32, #tpu.memory_space<vmem>> -> memref<2048xf32, #tpu.memory_space<vmem>>
      tpu.enqueue_dma source(%dma_start3A_182 : memref<2048xf32, #tpu.memory_space<vmem>>) target(%dma_start3A_181 : memref<2048xf32, #tpu.memory_space<hbm>>) target_semaphore(%arg18 : memref<!tpu.dma_semaphore, #tpu.memory_space<semaphore_mem>>)
    }
    %scan3A_12 = arith.constant 32 : i32
    %scan3A_13 = arith.constant 0 : i32
    %scan3A_14 = arith.constant 32 : i32
    %scan3A_15 = arith.addi %scan3A_13, %scan3A_14 : i32
    %scan3A_16 = arith.constant 1 : i32
    scf.for %scan3A_29 = %scan3A_13 to %scan3A_15 step %scan3A_16  : i32 {
      %mul3A_30 = arith.constant 16 : i32
      %mul3A_31 = arith.muli %scan3A_29, %mul3A_30 : i32
      %add3A_32 = arith.constant 0 : i32
      %add3A_33 = arith.addi %add3A_32, %mul3A_31 : i32
      %get3A = arith.index_cast %add3A_33 : i32 to index
      %get3A_34 = tpu.vector_load %arg8[%get3A] {strides = array<i32>} : memref<512xi32, #tpu.memory_space<vmem>>, vector<16xi32>,
      %get3A_35 = vector.shape_cast %get3A_34 : vector<16xi32> to vector<16xi32>
      %slice3A = vector.extract_strided_slice %get3A_35 {offsets = [0], sizes = [1], strides = [1]} : vector<16xi32> to vector<1xi32>
      %squeeze3A = vector.extract %slice3A[0] : i32 from vector<1xi32>
      %mul3A_36 = arith.constant 16 : i32
      %mul3A_37 = arith.muli %squeeze3A, %mul3A_36 : i32
      %get3A_38 = arith.index_cast %mul3A_37 : i32 to index
      %get3A_39 = tpu.vector_load %arg9[%get3A_38] {strides = array<i32>} : memref<2048xf32, #tpu.memory_space<vmem>>, vector<16xf32>,
      %get3A_40 = vector.shape_cast %get3A_39 : vector<16xf32> to vector<16xf32>
      %add3A_41 = arith.constant 0 : i32
      %add3A_42 = arith.addi %add3A_33, %add3A_41 : i32
      %mul3A_43 = arith.constant 16 : i32
      %mul3A_44 = arith.muli %add3A_42, %mul3A_43 : i32
      %swap3A = arith.index_cast %mul3A_44 : i32 to index
      %swap3A_45 = tpu.vector_load %arg10[%swap3A] {strides = array<i32>} : memref<8192xf32, #tpu.memory_space<vmem>>, vector<16xf32>,
      %swap3A_46 = vector.shape_cast %swap3A_45 : vector<16xf32> to vector<16xf32>
      %swap3A_47 = vector.shape_cast %get3A_40 : vector<16xf32> to vector<16xf32>
      tpu.vector_store %arg10[%swap3A], %swap3A_47 {strides = array<i32>} : memref<8192xf32, #tpu.memory_space<vmem>>, vector<16xf32>,
      %slice3A_48 = vector.extract_strided_slice %get3A_35 {offsets = [1], sizes = [1], strides = [1]} : vector<16xi32> to vector<1xi32>
      %squeeze3A_49 = vector.extract %slice3A_48[0] : i32 from vector<1xi32>
      %mul3A_50 = arith.constant 16 : i32
      %mul3A_51 = arith.muli %squeeze3A_49, %mul3A_50 : i32
      %get3A_52 = arith.index_cast %mul3A_51 : i32 to index
      %get3A_53 = tpu.vector_load %arg9[%get3A_52] {strides = array<i32>} : memref<2048xf32, #tpu.memory_space<vmem>>, vector<16xf32>,
      %get3A_54 = vector.shape_cast %get3A_53 : vector<16xf32> to vector<16xf32>
      %add3A_55 = arith.constant 1 : i32
      %add3A_56 = arith.addi %add3A_33, %add3A_55 : i32
      %mul3A_57 = arith.constant 16 : i32
      %mul3A_58 = arith.muli %add3A_56, %mul3A_57 : i32
      %swap3A_59 = arith.index_cast %mul3A_58 : i32 to index
      %swap3A_60 = tpu.vector_load %arg10[%swap3A_59] {strides = array<i32>} : memref<8192xf32, #tpu.memory_space<vmem>>, vector<16xf32>,
      %swap3A_61 = vector.shape_cast %swap3A_60 : vector<16xf32> to vector<16xf32>
      %swap3A_62 = vector.shape_cast %get3A_54 : vector<16xf32> to vector<16xf32>
      tpu.vector_store %arg10[%swap3A_59], %swap3A_62 {strides = array<i32>} : memref<8192xf32, #tpu.memory_space<vmem>>, vector<16xf32>,
      %slice3A_63 = vector.extract_strided_slice %get3A_35 {offsets = [2], sizes = [1], strides = [1]} : vector<16xi32> to vector<1xi32>
      %squeeze3A_64 = vector.extract %slice3A_63[0] : i32 from vector<1xi32>
      %mul3A_65 = arith.constant 16 : i32
      %mul3A_66 = arith.muli %squeeze3A_64, %mul3A_65 : i32
      %get3A_67 = arith.index_cast %mul3A_66 : i32 to index
      %get3A_68 = tpu.vector_load %arg9[%get3A_67] {strides = array<i32>} : memref<2048xf32, #tpu.memory_space<vmem>>, vector<16xf32>,
      %get3A_69 = vector.shape_cast %get3A_68 : vector<16xf32> to vector<16xf32>
      %add3A_70 = arith.constant 2 : i32
      %add3A_71 = arith.addi %add3A_33, %add3A_70 : i32
      %mul3A_72 = arith.constant 16 : i32
      %mul3A_73 = arith.muli %add3A_71, %mul3A_72 : i32
      %swap3A_74 = arith.index_cast %mul3A_73 : i32 to index
      %swap3A_75 = tpu.vector_load %arg10[%swap3A_74] {strides = array<i32>} : memref<8192xf32, #tpu.memory_space<vmem>>, vector<16xf32>,
      %swap3A_76 = vector.shape_cast %swap3A_75 : vector<16xf32> to vector<16xf32>
      %swap3A_77 = vector.shape_cast %get3A_69 : vector<16xf32> to vector<16xf32>
      tpu.vector_store %arg10[%swap3A_74], %swap3A_77 {strides = array<i32>} : memref<8192xf32, #tpu.memory_space<vmem>>, vector<16xf32>,
      %slice3A_78 = vector.extract_strided_slice %get3A_35 {offsets = [3], sizes = [1], strides = [1]} : vector<16xi32> to vector<1xi32>
      %squeeze3A_79 = vector.extract %slice3A_78[0] : i32 from vector<1xi32>
      %mul3A_80 = arith.constant 16 : i32
      %mul3A_81 = arith.muli %squeeze3A_79, %mul3A_80 : i32
      %get3A_82 = arith.index_cast %mul3A_81 : i32 to index
      %get3A_83 = tpu.vector_load %arg9[%get3A_82] {strides = array<i32>} : memref<2048xf32, #tpu.memory_space<vmem>>, vector<16xf32>,
      %get3A_84 = vector.shape_cast %get3A_83 : vector<16xf32> to vector<16xf32>
      %add3A_85 = arith.constant 3 : i32
      %add3A_86 = arith.addi %add3A_33, %add3A_85 : i32
      %mul3A_87 = arith.constant 16 : i32
      %mul3A_88 = arith.muli %add3A_86, %mul3A_87 : i32
      %swap3A_89 = arith.index_cast %mul3A_88 : i32 to index
      %swap3A_90 = tpu.vector_load %arg10[%swap3A_89] {strides = array<i32>} : memref<8192xf32, #tpu.memory_space<vmem>>, vector<16xf32>,
      %swap3A_91 = vector.shape_cast %swap3A_90 : vector<16xf32> to vector<16xf32>
      %swap3A_92 = vector.shape_cast %get3A_84 : vector<16xf32> to vector<16xf32>
      tpu.vector_store %arg10[%swap3A_89], %swap3A_92 {strides = array<i32>} : memref<8192xf32, #tpu.memory_space<vmem>>, vector<16xf32>,
      %slice3A_93 = vector.extract_strided_slice %get3A_35 {offsets = [4], sizes = [1], strides = [1]} : vector<16xi32> to vector<1xi32>
      %squeeze3A_94 = vector.extract %slice3A_93[0] : i32 from vector<1xi32>
      %mul3A_95 = arith.constant 16 : i32
      %mul3A_96 = arith.muli %squeeze3A_94, %mul3A_95 : i32
      %get3A_97 = arith.index_cast %mul3A_96 : i32 to index
      %get3A_98 = tpu.vector_load %arg9[%get3A_97] {strides = array<i32>} : memref<2048xf32, #tpu.memory_space<vmem>>, vector<16xf32>,
      %get3A_99 = vector.shape_cast %get3A_98 : vector<16xf32> to vector<16xf32>
      %add3A_100 = arith.constant 4 : i32
      %add3A_101 = arith.addi %add3A_33, %add3A_100 : i32
      %mul3A_102 = arith.constant 16 : i32
      %mul3A_103 = arith.muli %add3A_101, %mul3A_102 : i32
      %swap3A_104 = arith.index_cast %mul3A_103 : i32 to index
      %swap3A_105 = tpu.vector_load %arg10[%swap3A_104] {strides = array<i32>} : memref<8192xf32, #tpu.memory_space<vmem>>, vector<16xf32>,
      %swap3A_106 = vector.shape_cast %swap3A_105 : vector<16xf32> to vector<16xf32>
      %swap3A_107 = vector.shape_cast %get3A_99 : vector<16xf32> to vector<16xf32>
      tpu.vector_store %arg10[%swap3A_104], %swap3A_107 {strides = array<i32>} : memref<8192xf32, #tpu.memory_space<vmem>>, vector<16xf32>,
      %slice3A_108 = vector.extract_strided_slice %get3A_35 {offsets = [5], sizes = [1], strides = [1]} : vector<16xi32> to vector<1xi32>
      %squeeze3A_109 = vector.extract %slice3A_108[0] : i32 from vector<1xi32>
      %mul3A_110 = arith.constant 16 : i32
      %mul3A_111 = arith.muli %squeeze3A_109, %mul3A_110 : i32
      %get3A_112 = arith.index_cast %mul3A_111 : i32 to index
      %get3A_113 = tpu.vector_load %arg9[%get3A_112] {strides = array<i32>} : memref<2048xf32, #tpu.memory_space<vmem>>, vector<16xf32>,
      %get3A_114 = vector.shape_cast %get3A_113 : vector<16xf32> to vector<16xf32>
      %add3A_115 = arith.constant 5 : i32
      %add3A_116 = arith.addi %add3A_33, %add3A_115 : i32
      %mul3A_117 = arith.constant 16 : i32
      %mul3A_118 = arith.muli %add3A_116, %mul3A_117 : i32
      %swap3A_119 = arith.index_cast %mul3A_118 : i32 to index
      %swap3A_120 = tpu.vector_load %arg10[%swap3A_119] {strides = array<i32>} : memref<8192xf32, #tpu.memory_space<vmem>>, vector<16xf32>,
      %swap3A_121 = vector.shape_cast %swap3A_120 : vector<16xf32> to vector<16xf32>
      %swap3A_122 = vector.shape_cast %get3A_114 : vector<16xf32> to vector<16xf32>
      tpu.vector_store %arg10[%swap3A_119], %swap3A_122 {strides = array<i32>} : memref<8192xf32, #tpu.memory_space<vmem>>, vector<16xf32>,
      %slice3A_123 = vector.extract_strided_slice %get3A_35 {offsets = [6], sizes = [1], strides = [1]} : vector<16xi32> to vector<1xi32>
      %squeeze3A_124 = vector.extract %slice3A_123[0] : i32 from vector<1xi32>
      %mul3A_125 = arith.constant 16 : i32
      %mul3A_126 = arith.muli %squeeze3A_124, %mul3A_125 : i32
      %get3A_127 = arith.index_cast %mul3A_126 : i32 to index
      %get3A_128 = tpu.vector_load %arg9[%get3A_127] {strides = array<i32>} : memref<2048xf32, #tpu.memory_space<vmem>>, vector<16xf32>,
      %get3A_129 = vector.shape_cast %get3A_128 : vector<16xf32> to vector<16xf32>
      %add3A_130 = arith.constant 6 : i32
      %add3A_131 = arith.addi %add3A_33, %add3A_130 : i32
      %mul3A_132 = arith.constant 16 : i32
      %mul3A_133 = arith.muli %add3A_131, %mul3A_132 : i32
      %swap3A_134 = arith.index_cast %mul3A_133 : i32 to index
      %swap3A_135 = tpu.vector_load %arg10[%swap3A_134] {strides = array<i32>} : memref<8192xf32, #tpu.memory_space<vmem>>, vector<16xf32>,
      %swap3A_136 = vector.shape_cast %swap3A_135 : vector<16xf32> to vector<16xf32>
      %swap3A_137 = vector.shape_cast %get3A_129 : vector<16xf32> to vector<16xf32>
      tpu.vector_store %arg10[%swap3A_134], %swap3A_137 {strides = array<i32>} : memref<8192xf32, #tpu.memory_space<vmem>>, vector<16xf32>,
      %slice3A_138 = vector.extract_strided_slice %get3A_35 {offsets = [7], sizes = [1], strides = [1]} : vector<16xi32> to vector<1xi32>
      %squeeze3A_139 = vector.extract %slice3A_138[0] : i32 from vector<1xi32>
      %mul3A_140 = arith.constant 16 : i32
      %mul3A_141 = arith.muli %squeeze3A_139, %mul3A_140 : i32
      %get3A_142 = arith.index_cast %mul3A_141 : i32 to index
      %get3A_143 = tpu.vector_load %arg9[%get3A_142] {strides = array<i32>} : memref<2048xf32, #tpu.memory_space<vmem>>, vector<16xf32>,
      %get3A_144 = vector.shape_cast %get3A_143 : vector<16xf32> to vector<16xf32>
      %add3A_145 = arith.constant 7 : i32
      %add3A_146 = arith.addi %add3A_33, %add3A_145 : i32
      %mul3A_147 = arith.constant 16 : i32
      %mul3A_148 = arith.muli %add3A_146, %mul3A_147 : i32
      %swap3A_149 = arith.index_cast %mul3A_148 : i32 to index
      %swap3A_150 = tpu.vector_load %arg10[%swap3A_149] {strides = array<i32>} : memref<8192xf32, #tpu.memory_space<vmem>>, vector<16xf32>,
      %swap3A_151 = vector.shape_cast %swap3A_150 : vector<16xf32> to vector<16xf32>
      %swap3A_152 = vector.shape_cast %get3A_144 : vector<16xf32> to vector<16xf32>
      tpu.vector_store %arg10[%swap3A_149], %swap3A_152 {strides = array<i32>} : memref<8192xf32, #tpu.memory_space<vmem>>, vector<16xf32>,
      %slice3A_153 = vector.extract_strided_slice %get3A_35 {offsets = [8], sizes = [1], strides = [1]} : vector<16xi32> to vector<1xi32>
      %squeeze3A_154 = vector.extract %slice3A_153[0] : i32 from vector<1xi32>
      %mul3A_155 = arith.constant 16 : i32
      %mul3A_156 = arith.muli %squeeze3A_154, %mul3A_155 : i32
      %get3A_157 = arith.index_cast %mul3A_156 : i32 to index
      %get3A_158 = tpu.vector_load %arg9[%get3A_157] {strides = array<i32>} : memref<2048xf32, #tpu.memory_space<vmem>>, vector<16xf32>,
      %get3A_159 = vector.shape_cast %get3A_158 : vector<16xf32> to vector<16xf32>
      %add3A_160 = arith.constant 8 : i32
      %add3A_161 = arith.addi %add3A_33, %add3A_160 : i32
      %mul3A_162 = arith.constant 16 : i32
      %mul3A_163 = arith.muli %add3A_161, %mul3A_162 : i32
      %swap3A_164 = arith.index_cast %mul3A_163 : i32 to index
      %swap3A_165 = tpu.vector_load %arg10[%swap3A_164] {strides = array<i32>} : memref<8192xf32, #tpu.memory_space<vmem>>, vector<16xf32>,
      %swap3A_166 = vector.shape_cast %swap3A_165 : vector<16xf32> to vector<16xf32>
      %swap3A_167 = vector.shape_cast %get3A_159 : vector<16xf32> to vector<16xf32>
      tpu.vector_store %arg10[%swap3A_164], %swap3A_167 {strides = array<i32>} : memref<8192xf32, #tpu.memory_space<vmem>>, vector<16xf32>,
      %slice3A_168 = vector.extract_strided_slice %get3A_35 {offsets = [9], sizes = [1], strides = [1]} : vector<16xi32> to vector<1xi32>
      %squeeze3A_169 = vector.extract %slice3A_168[0] : i32 from vector<1xi32>
      %mul3A_170 = arith.constant 16 : i32
      %mul3A_171 = arith.muli %squeeze3A_169, %mul3A_170 : i32
      %get3A_172 = arith.index_cast %mul3A_171 : i32 to index
      %get3A_173 = tpu.vector_load %arg9[%get3A_172] {strides = array<i32>} : memref<2048xf32, #tpu.memory_space<vmem>>, vector<16xf32>,
      %get3A_174 = vector.shape_cast %get3A_173 : vector<16xf32> to vector<16xf32>
      %add3A_175 = arith.constant 9 : i32
      %add3A_176 = arith.addi %add3A_33, %add3A_175 : i32
      %mul3A_177 = arith.constant 16 : i32
      %mul3A_178 = arith.muli %add3A_176, %mul3A_177 : i32
      %swap3A_179 = arith.index_cast %mul3A_178 : i32 to index
      %swap3A_180 = tpu.vector_load %arg10[%swap3A_179] {strides = array<i32>} : memref<8192xf32, #tpu.memory_space<vmem>>, vector<16xf32>,
      %swap3A_181 = vector.shape_cast %swap3A_180 : vector<16xf32> to vector<16xf32>
      %swap3A_182 = vector.shape_cast %get3A_174 : vector<16xf32> to vector<16xf32>
      tpu.vector_store %arg10[%swap3A_179], %swap3A_182 {strides = array<i32>} : memref<8192xf32, #tpu.memory_space<vmem>>, vector<16xf32>,
      %slice3A_183 = vector.extract_strided_slice %get3A_35 {offsets = [10], sizes = [1], strides = [1]} : vector<16xi32> to vector<1xi32>
      %squeeze3A_184 = vector.extract %slice3A_183[0] : i32 from vector<1xi32>
      %mul3A_185 = arith.constant 16 : i32
      %mul3A_186 = arith.muli %squeeze3A_184, %mul3A_185 : i32
      %get3A_187 = arith.index_cast %mul3A_186 : i32 to index
      %get3A_188 = tpu.vector_load %arg9[%get3A_187] {strides = array<i32>} : memref<2048xf32, #tpu.memory_space<vmem>>, vector<16xf32>,
      %get3A_189 = vector.shape_cast %get3A_188 : vector<16xf32> to vector<16xf32>
      %add3A_190 = arith.constant 10 : i32
      %add3A_191 = arith.addi %add3A_33, %add3A_190 : i32
      %mul3A_192 = arith.constant 16 : i32
      %mul3A_193 = arith.muli %add3A_191, %mul3A_192 : i32
      %swap3A_194 = arith.index_cast %mul3A_193 : i32 to index
      %swap3A_195 = tpu.vector_load %arg10[%swap3A_194] {strides = array<i32>} : memref<8192xf32, #tpu.memory_space<vmem>>, vector<16xf32>,
      %swap3A_196 = vector.shape_cast %swap3A_195 : vector<16xf32> to vector<16xf32>
      %swap3A_197 = vector.shape_cast %get3A_189 : vector<16xf32> to vector<16xf32>
      tpu.vector_store %arg10[%swap3A_194], %swap3A_197 {strides = array<i32>} : memref<8192xf32, #tpu.memory_space<vmem>>, vector<16xf32>,
      %slice3A_198 = vector.extract_strided_slice %get3A_35 {offsets = [11], sizes = [1], strides = [1]} : vector<16xi32> to vector<1xi32>
      %squeeze3A_199 = vector.extract %slice3A_198[0] : i32 from vector<1xi32>
      %mul3A_200 = arith.constant 16 : i32
      %mul3A_201 = arith.muli %squeeze3A_199, %mul3A_200 : i32
      %get3A_202 = arith.index_cast %mul3A_201 : i32 to index
      %get3A_203 = tpu.vector_load %arg9[%get3A_202] {strides = array<i32>} : memref<2048xf32, #tpu.memory_space<vmem>>, vector<16xf32>,
      %get3A_204 = vector.shape_cast %get3A_203 : vector<16xf32> to vector<16xf32>
      %add3A_205 = arith.constant 11 : i32
      %add3A_206 = arith.addi %add3A_33, %add3A_205 : i32
      %mul3A_207 = arith.constant 16 : i32
      %mul3A_208 = arith.muli %add3A_206, %mul3A_207 : i32
      %swap3A_209 = arith.index_cast %mul3A_208 : i32 to index
      %swap3A_210 = tpu.vector_load %arg10[%swap3A_209] {strides = array<i32>} : memref<8192xf32, #tpu.memory_space<vmem>>, vector<16xf32>,
      %swap3A_211 = vector.shape_cast %swap3A_210 : vector<16xf32> to vector<16xf32>
      %swap3A_212 = vector.shape_cast %get3A_204 : vector<16xf32> to vector<16xf32>
      tpu.vector_store %arg10[%swap3A_209], %swap3A_212 {strides = array<i32>} : memref<8192xf32, #tpu.memory_space<vmem>>, vector<16xf32>,
      %slice3A_213 = vector.extract_strided_slice %get3A_35 {offsets = [12], sizes = [1], strides = [1]} : vector<16xi32> to vector<1xi32>
      %squeeze3A_214 = vector.extract %slice3A_213[0] : i32 from vector<1xi32>
      %mul3A_215 = arith.constant 16 : i32
      %mul3A_216 = arith.muli %squeeze3A_214, %mul3A_215 : i32
      %get3A_217 = arith.index_cast %mul3A_216 : i32 to index
      %get3A_218 = tpu.vector_load %arg9[%get3A_217] {strides = array<i32>} : memref<2048xf32, #tpu.memory_space<vmem>>, vector<16xf32>,
      %get3A_219 = vector.shape_cast %get3A_218 : vector<16xf32> to vector<16xf32>
      %add3A_220 = arith.constant 12 : i32
      %add3A_221 = arith.addi %add3A_33, %add3A_220 : i32
      %mul3A_222 = arith.constant 16 : i32
      %mul3A_223 = arith.muli %add3A_221, %mul3A_222 : i32
      %swap3A_224 = arith.index_cast %mul3A_223 : i32 to index
      %swap3A_225 = tpu.vector_load %arg10[%swap3A_224] {strides = array<i32>} : memref<8192xf32, #tpu.memory_space<vmem>>, vector<16xf32>,
      %swap3A_226 = vector.shape_cast %swap3A_225 : vector<16xf32> to vector<16xf32>
      %swap3A_227 = vector.shape_cast %get3A_219 : vector<16xf32> to vector<16xf32>
      tpu.vector_store %arg10[%swap3A_224], %swap3A_227 {strides = array<i32>} : memref<8192xf32, #tpu.memory_space<vmem>>, vector<16xf32>,
      %slice3A_228 = vector.extract_strided_slice %get3A_35 {offsets = [13], sizes = [1], strides = [1]} : vector<16xi32> to vector<1xi32>
      %squeeze3A_229 = vector.extract %slice3A_228[0] : i32 from vector<1xi32>
      %mul3A_230 = arith.constant 16 : i32
      %mul3A_231 = arith.muli %squeeze3A_229, %mul3A_230 : i32
      %get3A_232 = arith.index_cast %mul3A_231 : i32 to index
      %get3A_233 = tpu.vector_load %arg9[%get3A_232] {strides = array<i32>} : memref<2048xf32, #tpu.memory_space<vmem>>, vector<16xf32>,
      %get3A_234 = vector.shape_cast %get3A_233 : vector<16xf32> to vector<16xf32>
      %add3A_235 = arith.constant 13 : i32
      %add3A_236 = arith.addi %add3A_33, %add3A_235 : i32
      %mul3A_237 = arith.constant 16 : i32
      %mul3A_238 = arith.muli %add3A_236, %mul3A_237 : i32
      %swap3A_239 = arith.index_cast %mul3A_238 : i32 to index
      %swap3A_240 = tpu.vector_load %arg10[%swap3A_239] {strides = array<i32>} : memref<8192xf32, #tpu.memory_space<vmem>>, vector<16xf32>,
      %swap3A_241 = vector.shape_cast %swap3A_240 : vector<16xf32> to vector<16xf32>
      %swap3A_242 = vector.shape_cast %get3A_234 : vector<16xf32> to vector<16xf32>
      tpu.vector_store %arg10[%swap3A_239], %swap3A_242 {strides = array<i32>} : memref<8192xf32, #tpu.memory_space<vmem>>, vector<16xf32>,
      %slice3A_243 = vector.extract_strided_slice %get3A_35 {offsets = [14], sizes = [1], strides = [1]} : vector<16xi32> to vector<1xi32>
      %squeeze3A_244 = vector.extract %slice3A_243[0] : i32 from vector<1xi32>
      %mul3A_245 = arith.constant 16 : i32
      %mul3A_246 = arith.muli %squeeze3A_244, %mul3A_245 : i32
      %get3A_247 = arith.index_cast %mul3A_246 : i32 to index
      %get3A_248 = tpu.vector_load %arg9[%get3A_247] {strides = array<i32>} : memref<2048xf32, #tpu.memory_space<vmem>>, vector<16xf32>,
      %get3A_249 = vector.shape_cast %get3A_248 : vector<16xf32> to vector<16xf32>
      %add3A_250 = arith.constant 14 : i32
      %add3A_251 = arith.addi %add3A_33, %add3A_250 : i32
      %mul3A_252 = arith.constant 16 : i32
      %mul3A_253 = arith.muli %add3A_251, %mul3A_252 : i32
      %swap3A_254 = arith.index_cast %mul3A_253 : i32 to index
      %swap3A_255 = tpu.vector_load %arg10[%swap3A_254] {strides = array<i32>} : memref<8192xf32, #tpu.memory_space<vmem>>, vector<16xf32>,
      %swap3A_256 = vector.shape_cast %swap3A_255 : vector<16xf32> to vector<16xf32>
      %swap3A_257 = vector.shape_cast %get3A_249 : vector<16xf32> to vector<16xf32>
      tpu.vector_store %arg10[%swap3A_254], %swap3A_257 {strides = array<i32>} : memref<8192xf32, #tpu.memory_space<vmem>>, vector<16xf32>,
      %slice3A_258 = vector.extract_strided_slice %get3A_35 {offsets = [15], sizes = [1], strides = [1]} : vector<16xi32> to vector<1xi32>
      %squeeze3A_259 = vector.extract %slice3A_258[0] : i32 from vector<1xi32>
      %mul3A_260 = arith.constant 16 : i32
      %mul3A_261 = arith.muli %squeeze3A_259, %mul3A_260 : i32
      %get3A_262 = arith.index_cast %mul3A_261 : i32 to index
      %get3A_263 = tpu.vector_load %arg9[%get3A_262] {strides = array<i32>} : memref<2048xf32, #tpu.memory_space<vmem>>, vector<16xf32>,
      %get3A_264 = vector.shape_cast %get3A_263 : vector<16xf32> to vector<16xf32>
      %add3A_265 = arith.constant 15 : i32
      %add3A_266 = arith.addi %add3A_33, %add3A_265 : i32
      %mul3A_267 = arith.constant 16 : i32
      %mul3A_268 = arith.muli %add3A_266, %mul3A_267 : i32
      %swap3A_269 = arith.index_cast %mul3A_268 : i32 to index
      %swap3A_270 = tpu.vector_load %arg10[%swap3A_269] {strides = array<i32>} : memref<8192xf32, #tpu.memory_space<vmem>>, vector<16xf32>,
      %swap3A_271 = vector.shape_cast %swap3A_270 : vector<16xf32> to vector<16xf32>
      %swap3A_272 = vector.shape_cast %get3A_264 : vector<16xf32> to vector<16xf32>
      tpu.vector_store %arg10[%swap3A_269], %swap3A_272 {strides = array<i32>} : memref<8192xf32, #tpu.memory_space<vmem>>, vector<16xf32>,
    }
    %scan3A_17 = arith.constant 32 : i32
    %scan3A_18 = arith.constant 0 : i32
    %scan3A_19 = arith.constant 32 : i32
    %scan3A_20 = arith.addi %scan3A_18, %scan3A_19 : i32
    %scan3A_21 = arith.constant 1 : i32
    scf.for %scan3A_29 = %scan3A_18 to %scan3A_20 step %scan3A_21  : i32 {
      %mul3A_30 = arith.constant 16 : i32
      %mul3A_31 = arith.muli %scan3A_29, %mul3A_30 : i32
      %add3A_32 = arith.constant 0 : i32
      %add3A_33 = arith.addi %add3A_32, %mul3A_31 : i32
      %dma_wait3A_34 = arith.constant 0 : i32
      %dma_wait3A_35 = tpu.memref_slice %arg5[%dma_wait3A_34] : memref<33554432xf32, #tpu.memory_space<hbm>> -> memref<4096xf32, #tpu.memory_space<hbm>>
      %dma_wait3A_36 = arith.constant 0 : i32
      %dma_wait3A_37 = tpu.memref_slice %arg3[%dma_wait3A_36] : memref<262144xf32, #tpu.memory_space<hbm>> -> memref<4096xf32, #tpu.memory_space<hbm>>
      tpu.wait_dma2 semaphore(%arg11 : memref<!tpu.dma_semaphore, #tpu.memory_space<semaphore_mem>>) src(%dma_wait3A_37 : memref<4096xf32, #tpu.memory_space<hbm>>) dst(%dma_wait3A_35 : memref<4096xf32, #tpu.memory_space<hbm>>)
      %dma_wait3A_38 = arith.constant 0 : i32
      %dma_wait3A_39 = tpu.memref_slice %arg5[%dma_wait3A_38] : memref<33554432xf32, #tpu.memory_space<hbm>> -> memref<4096xf32, #tpu.memory_space<hbm>>
      %dma_wait3A_40 = arith.constant 0 : i32
      %dma_wait3A_41 = tpu.memref_slice %arg3[%dma_wait3A_40] : memref<262144xf32, #tpu.memory_space<hbm>> -> memref<4096xf32, #tpu.memory_space<hbm>>
      tpu.wait_dma2 semaphore(%arg12 : memref<!tpu.dma_semaphore, #tpu.memory_space<semaphore_mem>>) src(%dma_wait3A_41 : memref<4096xf32, #tpu.memory_space<hbm>>) dst(%dma_wait3A_39 : memref<4096xf32, #tpu.memory_space<hbm>>)
      %dma_wait3A_42 = arith.constant 0 : i32
      %dma_wait3A_43 = tpu.memref_slice %arg5[%dma_wait3A_42] : memref<33554432xf32, #tpu.memory_space<hbm>> -> memref<4096xf32, #tpu.memory_space<hbm>>
      %dma_wait3A_44 = arith.constant 0 : i32
      %dma_wait3A_45 = tpu.memref_slice %arg3[%dma_wait3A_44] : memref<262144xf32, #tpu.memory_space<hbm>> -> memref<4096xf32, #tpu.memory_space<hbm>>
      tpu.wait_dma2 semaphore(%arg13 : memref<!tpu.dma_semaphore, #tpu.memory_space<semaphore_mem>>) src(%dma_wait3A_45 : memref<4096xf32, #tpu.memory_space<hbm>>) dst(%dma_wait3A_43 : memref<4096xf32, #tpu.memory_space<hbm>>)
      %dma_wait3A_46 = arith.constant 0 : i32
      %dma_wait3A_47 = tpu.memref_slice %arg5[%dma_wait3A_46] : memref<33554432xf32, #tpu.memory_space<hbm>> -> memref<4096xf32, #tpu.memory_space<hbm>>
      %dma_wait3A_48 = arith.constant 0 : i32
      %dma_wait3A_49 = tpu.memref_slice %arg3[%dma_wait3A_48] : memref<262144xf32, #tpu.memory_space<hbm>> -> memref<4096xf32, #tpu.memory_space<hbm>>
      tpu.wait_dma2 semaphore(%arg14 : memref<!tpu.dma_semaphore, #tpu.memory_space<semaphore_mem>>) src(%dma_wait3A_49 : memref<4096xf32, #tpu.memory_space<hbm>>) dst(%dma_wait3A_47 : memref<4096xf32, #tpu.memory_space<hbm>>)
      %dma_wait3A_50 = arith.constant 0 : i32
      %dma_wait3A_51 = tpu.memref_slice %arg5[%dma_wait3A_50] : memref<33554432xf32, #tpu.memory_space<hbm>> -> memref<4096xf32, #tpu.memory_space<hbm>>
      %dma_wait3A_52 = arith.constant 0 : i32
      %dma_wait3A_53 = tpu.memref_slice %arg3[%dma_wait3A_52] : memref<262144xf32, #tpu.memory_space<hbm>> -> memref<4096xf32, #tpu.memory_space<hbm>>
      tpu.wait_dma2 semaphore(%arg15 : memref<!tpu.dma_semaphore, #tpu.memory_space<semaphore_mem>>) src(%dma_wait3A_53 : memref<4096xf32, #tpu.memory_space<hbm>>) dst(%dma_wait3A_51 : memref<4096xf32, #tpu.memory_space<hbm>>)
      %dma_wait3A_54 = arith.constant 0 : i32
      %dma_wait3A_55 = tpu.memref_slice %arg5[%dma_wait3A_54] : memref<33554432xf32, #tpu.memory_space<hbm>> -> memref<4096xf32, #tpu.memory_space<hbm>>
      %dma_wait3A_56 = arith.constant 0 : i32
      %dma_wait3A_57 = tpu.memref_slice %arg3[%dma_wait3A_56] : memref<262144xf32, #tpu.memory_space<hbm>> -> memref<4096xf32, #tpu.memory_space<hbm>>
      tpu.wait_dma2 semaphore(%arg16 : memref<!tpu.dma_semaphore, #tpu.memory_space<semaphore_mem>>) src(%dma_wait3A_57 : memref<4096xf32, #tpu.memory_space<hbm>>) dst(%dma_wait3A_55 : memref<4096xf32, #tpu.memory_space<hbm>>)
      %dma_wait3A_58 = arith.constant 0 : i32
      %dma_wait3A_59 = tpu.memref_slice %arg5[%dma_wait3A_58] : memref<33554432xf32, #tpu.memory_space<hbm>> -> memref<4096xf32, #tpu.memory_space<hbm>>
      %dma_wait3A_60 = arith.constant 0 : i32
      %dma_wait3A_61 = tpu.memref_slice %arg3[%dma_wait3A_60] : memref<262144xf32, #tpu.memory_space<hbm>> -> memref<4096xf32, #tpu.memory_space<hbm>>
      tpu.wait_dma2 semaphore(%arg17 : memref<!tpu.dma_semaphore, #tpu.memory_space<semaphore_mem>>) src(%dma_wait3A_61 : memref<4096xf32, #tpu.memory_space<hbm>>) dst(%dma_wait3A_59 : memref<4096xf32, #tpu.memory_space<hbm>>)
      %dma_wait3A_62 = arith.constant 0 : i32
      %dma_wait3A_63 = tpu.memref_slice %arg5[%dma_wait3A_62] : memref<33554432xf32, #tpu.memory_space<hbm>> -> memref<4096xf32, #tpu.memory_space<hbm>>
      %dma_wait3A_64 = arith.constant 0 : i32
      %dma_wait3A_65 = tpu.memref_slice %arg3[%dma_wait3A_64] : memref<262144xf32, #tpu.memory_space<hbm>> -> memref<4096xf32, #tpu.memory_space<hbm>>
      tpu.wait_dma2 semaphore(%arg18 : memref<!tpu.dma_semaphore, #tpu.memory_space<semaphore_mem>>) src(%dma_wait3A_65 : memref<4096xf32, #tpu.memory_space<hbm>>) dst(%dma_wait3A_63 : memref<4096xf32, #tpu.memory_space<hbm>>)
    }
    %scan3A_22 = arith.constant 32 : i32
    %mul3A_23 = arith.constant 16 : i32
    %mul3A_24 = arith.muli %mul3A_2, %mul3A_23 : i32
    %dma_start3A_25 = tpu.memref_slice %arg6[%mul3A_24] : memref<262144xf32, #tpu.memory_space<hbm>> -> memref<8192xf32, #tpu.memory_space<hbm>>
    %dma_start3A_26 = tpu.memref_slice %arg6[%mul3A_24] : memref<262144xf32, #tpu.memory_space<hbm>> -> memref<8192xf32, #tpu.memory_space<hbm>>
    tpu.enqueue_dma source(%arg10 : memref<8192xf32, #tpu.memory_space<vmem>>) target(%dma_start3A_26 : memref<8192xf32, #tpu.memory_space<hbm>>) target_semaphore(%arg19 : memref<!tpu.dma_semaphore, #tpu.memory_space<semaphore_mem>>)
    %dma_wait3A_27 = tpu.memref_slice %arg6[%mul3A_24] : memref<262144xf32, #tpu.memory_space<hbm>> -> memref<8192xf32, #tpu.memory_space<hbm>>
    %dma_wait3A_28 = tpu.memref_slice %arg6[%mul3A_24] : memref<262144xf32, #tpu.memory_space<hbm>> -> memref<8192xf32, #tpu.memory_space<hbm>>
    tpu.wait_dma2 semaphore(%arg19 : memref<!tpu.dma_semaphore, #tpu.memory_space<semaphore_mem>>) src(%arg10 : memref<8192xf32, #tpu.memory_space<vmem>>) dst(%dma_wait3A_28 : memref<8192xf32, #tpu.memory_space<hbm>>)
    return
  }
}

</mosaic_0001>

<sc_bundles>
// kernel: _fragment_gather.3.cloned.1.call-start
scs
__scs_entry_jumppad:
0x0: {  	(pc) =	sbr.rel $0x88, $3  }
0x1: {  	(tag) =	ssettag $0x0;
	lr =	simm.s32 $0x1  }
0x2: {  	[smem:$0x3F9E] =	sst lr;
	_ =	strace $0xD0000000  }
0x3: {  	_ = 	snop  }
0x4: {  	_ = 	snop  }
0x5: {  	_ = 	snop  }
0x6: {  	_ = 	snop  }
0x7: {  	_ = 	snop  }
__scs_overlays_trampoline_lowered:
0x8: {  	[smem:$0x3FAD] =	sst s0  }
0x9: {  	[smem:$0x3FAE] =	sst s1  }
0xa: {  	[smem:$0x3FAF] =	sst s2  }
0xb: {  	[smem:$0x3FB0] =	sst s3  }
0xc: {  	[smem:$0x3FB1] =	sst s4  }
0xd: {  	[smem:$0x3FB2] =	sst s5  }
0xe: {  	[smem:$0x3FB3] =	sst s6  }
0xf: {  	[smem:$0x3FB4] =	sst s7  }
0x10: {  	[smem:$0x3FB5] =	sst s8  }
0x11: {  	[smem:$0x3FB6] =	sst s9;
	s0 =	simm.s32 @!p0 $0x0  }
0x12: {  	s1 =	sld [smem:$0x3F9C];
	s0 =	simm.s32 @p0 $0x1  }
0x13: {  	[smem:$0x3FB7] =	sst s0;
	s0 =	simm.s32 @!p1 $0x0  }
0x14: {  	s2 =	sld [smem:$0x3F9B];
	s0 =	simm.s32 @p1 $0x1  }
0x15: {  	[smem:$0x3FB8] =	sst s0;
	s0 =	simm.s32 @!p2 $0x0  }
0x16: {  	s3 =	sld [smem:$0x3FDB];
	s0 =	simm.s32 @p2 $0x1  }
0x17: {  	s4 =	simm.s32 $0x1BF5;
	[smem:$0x3FBA] =	sst s0  }
0x18: {  	s0 =	sld [smem:$0x3F9D];
	_ =	swait.ge [sflag:s4], $0x0  }
0x19: {  	s7 =	sld [smem:$0x3F9E]  }
0x1a: {  	s8 =	sadd.s32 $0xFFFFE003, lr  }
0x1b: {  	s9 =	sadd.s32 $0xFFFFFEF7, lr;
	s5 =	simm.s32 $0xFFFFFFFF;
	p2 =	slt.u32 s8, $0xFFFFF086  }
0x1c: {  	p1 =	slt.u32 s9, $0xF7A;
	s5 =	simm.s32 @!p2 $0x0  }
0x1d: {  	s5 =	simm.s32 @p1 $0x1;
	p0 =	seq.s32 s7, s2  }
0x1e: {  	s7 =	smul.u32 @!p0 $0xF7A, s2;
	p2 =	seq.s32 @!p0 s5, $0x0  }
0x1f: {  	s9 =	smul.u32 $0xF7A, s1;
	s8 =	simm.s32 @!p0 $0x1BF5;
	p2 =	por !p2, p0  }
0x20: {  	[sflag:s8] =	ssyncset.s32 @!p0 $0xFFFFF086;
	s6 =	sadd.s32 @!p0 s3, s7;
	s7 =	simm.s32 @!p0 $0x108  }
0x21: {  	s3 =	sadd.s32 s3, s9;
	s6 =	sadd.s32 @!p0 $0x88, s6;
	s7 =	simm.s32 @p2 $0x1082  }
0x22: {  	[simem:s7], [sflag:s8] =	dma.local @!p0 [hbm:s6], $0xF7A  }
0x23: {  	s9 =	sor.u32 $0xD0000000, s2;
	s6 =	simm.s32 $0x108;
	_ =	swait.ge @!p0 [sflag:s8], $0x0  }
0x24: {  	s3 =	sadd.s32 $0x88, s3;
	s6 =	simm.s32 @!p1 $0x1082;
	[sflag:s4] =	ssyncset.s32 $0xFFFFF086  }
0x25: {  	[simem:s6], [sflag:s4] =	dma.local [hbm:s3], $0xF7A  }
0x26: {  	[smem:$0x3F9E] =	sst s1;
	(tag) =	ssettag s2;
	_ =	strace s9  }
0x27: {  	s1 =	sld [smem:$0x3FAE]  }
0x28: {  	s2 =	sld [smem:$0x3FAF]  }
0x29: {  	s4 =	sld [smem:$0x3FB1]  }
0x2a: {  	p0 =	seq.s32 s5, $0x0;
	s5 =	sld [smem:$0x3FB2]  }
0x2b: {  	s6 =	sld [smem:$0x3FB3]  }
0x2c: {  	s7 =	sld [smem:$0x3FB4]  }
0x2d: {  	s3 =	simm.s32 $0x108;
	s8 =	sld [smem:$0x3FB5]  }
0x2e: {  	s3 =	simm.s32 @!p0 $0x1082;
	s9 =	sld [smem:$0x3FB6]  }
0x2f: {  	lr =	sadd.s32 s0, s3;
	s0 =	sld [smem:$0x3FAD]  }
0x30: {  	s3 =	sld [smem:$0x3FB0]  }
0x31: {  	[smem:$0x3FB9] =	sst s10  }
0x32: {  	s10 =	sld [smem:$0x3FB7];
	_ =	sdelay $0x3  }
0x33: {  	p0 =	seq.s32 s10, $0x1;
	s10 =	sld [smem:$0x3FB9];
	_ =	sdelay $0x3  }
0x34: {  	[smem:$0x3FB9] =	sst s10  }
0x35: {  	s10 =	sld [smem:$0x3FB8];
	_ =	sdelay $0x3  }
0x36: {  	p1 =	seq.s32 s10, $0x1;
	s10 =	sld [smem:$0x3FB9];
	_ =	sdelay $0x3  }
0x37: {  	[smem:$0x3FB9] =	sst s10  }
0x38: {  	s10 =	sld [smem:$0x3FBA]  }
0x39: {  	_ = 	snop;
	(pc) =	sbr.ind lr, $3  }
0x3a: {  	_ = 	snop  }
0x3b: {  	_ = 	snop  }
0x3c: {  	p2 =	seq.s32 s10, $0x1;
	s10 =	sld [smem:$0x3FB9]  }
0x3d: {  	_ =	shalt  }
0x3e: {  	_ =	shalt  }
0x3f: {  	_ =	shalt  }
0x40: {  	_ =	shalt  }
0x41: {  	_ =	shalt  }
0x42: {  	_ =	shalt  }
0x43: {  	_ =	shalt  }
0x44: {  	_ =	shalt  }
0x45: {  	_ =	shalt  }
0x46: {  	_ =	shalt  }
0x47: {  	_ =	shalt  }
0x48: {  	_ =	shalt  }
0x49: {  	_ =	shalt  }
0x4a: {  	_ =	shalt  }
0x4b: {  	_ =	shalt  }
0x4c: {  	_ =	shalt  }
0x4d: {  	_ =	shalt  }
0x4e: {  	_ =	shalt  }
0x4f: {  	_ =	shalt  }
0x50: {  	_ =	shalt  }
0x51: {  	_ =	shalt  }
0x52: {  	_ =	shalt  }
0x53: {  	_ =	shalt  }
0x54: {  	_ =	shalt  }
0x55: {  	_ =	shalt  }
0x56: {  	_ =	shalt  }
0x57: {  	_ =	shalt  }
0x58: {  	_ =	shalt  }
0x59: {  	_ =	shalt  }
0x5a: {  	_ =	shalt  }
0x5b: {  	_ =	shalt  }
0x5c: {  	_ =	shalt  }
0x5d: {  	_ =	shalt  }
0x5e: {  	_ =	shalt  }
0x5f: {  	_ =	shalt  }
0x60: {  	_ =	shalt  }
0x61: {  	_ =	shalt  }
0x62: {  	_ =	shalt  }
0x63: {  	_ =	shalt  }
0x64: {  	_ =	shalt  }
0x65: {  	_ =	shalt  }
0x66: {  	_ =	shalt  }
0x67: {  	_ =	shalt  }
0x68: {  	_ =	shalt  }
0x69: {  	_ =	shalt  }
0x6a: {  	_ =	shalt  }
0x6b: {  	_ =	shalt  }
0x6c: {  	_ =	shalt  }
0x6d: {  	_ =	shalt  }
0x6e: {  	_ =	shalt  }
0x6f: {  	_ =	shalt  }
0x70: {  	_ =	shalt  }
0x71: {  	_ =	shalt  }
0x72: {  	_ =	shalt  }
0x73: {  	_ =	shalt  }
0x74: {  	_ =	shalt  }
0x75: {  	_ =	shalt  }
0x76: {  	_ =	shalt  }
0x77: {  	_ =	shalt  }
0x78: {  	_ =	shalt  }
0x79: {  	_ =	shalt  }
0x7a: {  	_ =	shalt  }
0x7b: {  	_ =	shalt  }
0x7c: {  	_ =	shalt  }
0x7d: {  	_ =	shalt  }
0x7e: {  	_ =	shalt  }
0x7f: {  	_ =	shalt  }
0x80: {  	_ =	shalt  }
0x81: {  	_ =	shalt  }
0x82: {  	_ =	shalt  }
0x83: {  	_ =	shalt  }
0x84: {  	_ =	shalt  }
0x85: {  	_ =	shalt  }
0x86: {  	_ =	shalt  }
0x87: {  	_ =	shalt  }
.Lfunc_end0:
.L_simem_size_0:
called_computation_lowered:
.L_overlay_start_0:
0x88: {  	s2 =	sld [smem:$0x3FD9]  }
0x89: {  	s3 =	sld [smem:$0x3FFE];
	_ =	sdelay $0x1  }
0x8a: {  	s1 =	srdreg.scid  }
0x8b: {  	s0 =	sand.u32 $0x1, s1  }
0x8c: {  	s14 =	sshll.u32 s0, $0xA;
	s2 =	sadd.s32 s3, s2  }
0x8d: {  	s2 =	sadd.s32 s2, s14  }
0x8e: {  	[smem:$0x3FC5] =	sst s2  }
0x8f: {  	_ = 	snop  }
0x90: {  	s2 =	sld [smem:$0x3FD0];
	_ =	sdelay $0x1  }
0x91: {  	s15 =	sld [smem:$0x3FC9]  }
0x92: {  	s5 =	simm.s32 $0xA;
	s6 =	simm.s32 $0x10;
	s4 =	sld [smem:$0x3FC8]  }
0x93: {  	[smem:s6], [sflag:s5] =	dma.local [hbm:s2], $0x1  }
0x94: {  	_ =	swait.eq [sflag:s5], $0x1  }
0x95: {  	[sflag:s5] =	ssyncset.done $0x0  }
0x96: {  	s16 =	sld [smem:$0x10];
	[sflag:s5] =	ssyncadd.s32 $0xFFFFFFFF  }
0x97: {  	s17 =	sld [smem:$0x11];
	(tm) =	ssettm $0x1  }
0x98: {  	s18 =	sld [smem:$0x3FFB];
	_ =	sdelay $0x3  }
0x99: {  	_ =	strace s18  }
0x9a: {  	s6 =	sld [smem:$0x3FFC];
	_ =	sdelay $0x3  }
0x9b: {  	_ =	strace s6  }
0x9c: {  	s6 =	sld [smem:$0x3FFD];
	_ =	sdelay $0x3  }
0x9d: {  	_ =	strace s6  }
0x9e: {  	_ =	strace $0x8FFFFFFF  }
0x9f: {  	s19 =	sld [smem:$0x3FDB];
	_ =	sdelay $0x1  }
0xa0: {  	s7 =	simm.s32 $_scs_section_size  }
0xa1: {  	s8 =	simm.s32 $_size__tile_overlayer_lowered;
	s9 =	simm.s32 $_tile_overlayer_lowered  }
0xa2: {  	s22 =	simm.s32 $0x1BFF;
	s21 =	sshll.u32 s9, $0x1;
	s6 =	sadd.s32 s7, s19  }
0xa3: {  	s10 =	simm.s32 $0x0;
	s20 =	sshll.u32 s8, $0x1;
	s8 =	sadd.s32 s21, s6  }
0xa4: {  	[timem:s10], [sflag:s22] =	dma.local [hbm:s8], s20  }
0xa5: {  	_ =	swait.ge [sflag:s22], s20  }
0xa6: {  	s7 =	ssub.s32 $0x0, s20;
	[sflag:s22] =	ssyncset.done $0x0  }
0xa7: {  	[sflag:s22] =	ssyncadd.s32 s7;
	_ =	sdelay $0x1  }
0xa8: {  	s23 =	simm.s32 $0x1B8B  }
0xa9: {  	_ =	swait.ge [sflag:s23], $0x1  }
0xaa: {  	[sflag:s23] =	ssyncset.done $0x0  }
0xab: {  	s25 =	simm.s32 $0x1B8E;
	s24 =	sld [smem:$0x3FFE];
	[sflag:s23] =	ssyncadd.s32 $0xFFFFFFFF  }
0xac: {  	s26 =	simm.s32 $execute0_lowered;
	[smem:$0x3FD2] =	sst s25  }
0xad: {  	s8 =	sshll.u32 s26, $0x1;
	_ =	strace $0x80000046;
	[dreg:$0x1] =	wrdreg $0xFFFFFFFF  }
0xae: {  	s28 =	simm.s32 $_size_execute0_lowered;
	s6 =	sadd.s32 s6, s8;
	[dreg:$0x0] =	wrdreg $0x0  }
0xaf: {  	s8 =	sshll.u32 s28, $0x1;
	[dreg:$0x2] =	wrdreg s6  }
0xb0: {  	[dreg:$0x3] =	wrdreg s8  }
0xb1: {  	[dreg:$0x4] =	wrdreg $0xC0  }
0xb2: {  	_ =	task [dreg:s10], $0x5FFFF  }
0xb3: {  	[dreg:$0x1] =	wrdreg $0xFFFFFFFF  }
0xb4: {  	[dreg:$0x0] =	wrdreg $0x60  }
0xb5: {  	[dreg:$0x2] =	wrdreg s15  }
0xb6: {  	[dreg:$0x3] =	wrdreg s4  }
0xb7: {  	[dreg:$0x4] =	wrdreg s24  }
0xb8: {  	[dreg:$0x5] =	wrdreg s16  }
0xb9: {  	[dreg:$0x6] =	wrdreg s17  }
0xba: {  	[dreg:$0x7] =	wrdreg $0x9  }
0xbb: {  	_ =	task.clear_ibuf [dreg:s10], $0x8FFFF;
	_ =	strace $0x90000046  }
0xbc: {  	s29 =	simm.s32 $0x9;
	_ =	strace $0x80000048  }
0xbd: {  	_ =	swait.ge [sflag:s29], $0x1  }
0xbe: {  	[sflag:s29] =	ssyncadd.s32 $0xFFFFFFFF  }
0xbf: {  	_ =	strace $0x90000048  }
0xc0: {  	_ =	sfence  }
0xc1: {  	s30 =	sld [smem:$0x0];
	_ =	sdelay $0x2  }
0xc2: {  	s31 =	sshll.u32 s1, $0xD;
	s1 =	sshrl.u32 s1, $0x2  }
0xc3: {  	s3 =	sand.u32 $0x4000, s31;
	s1 =	sadd.s32 s1, s30  }
0xc4: {  	s0 =	sor.u32 s3, s0;
	s1 =	sshll.u32 s1, $0x11  }
0xc5: {  	s0 =	sor.u32 s1, s0  }
0xc6: {  	s0 =	sadd.s32 $0x8F2B, s0  }
0xc7: {  	[sflag:s0] =	ssyncadd.remote.s32 $0x1  }
0xc8: {  	_ =	sfence.sel $0xFFFF  }
0xc9: {  	[dreg:$0x0] =	wrdreg $0xFFFFFFFF;
	(pc) =	sbr.abs _section_cstart, $3  }
0xca: {  	[dreg:$0x1] =	wrdreg $0xFFFFFFFF  }
0xcb: {  	_ =	task.clear_ibuf [dreg:s10], $0x2FFFF;
	_ =	strace $0x9FFFFFFF  }
0xcc: {  	(tm) =	ssettm $0x7FFFFFFF  }
0xcd: {  	_ =	shalt  }
tec
execute0_lowered:
.L_overlay_start_1:
0x0: {  	(tag) =	ssettag $0x1  }
0x1: {  	s5 =	rddreg [dreg:$0x0]  }
0x2: {  	s1 =	rddreg [dreg:$0x1]  }
0x3: {  	s4 =	rddreg [dreg:$0x2]  }
0x4: {  	s6 =	rddreg [dreg:$0x3]  }
0x5: {  	s7 =	rddreg [dreg:$0x4]  }
0x6: {  	s0 =	rddreg [dreg:$0x5];
	s3 =	simm.s32 $0x0;
	s8 =	srdreg.scid  }
0x7: {  	s2 =	stileid.u32;
	s13 =	simm.s32 $0x3;
	s14 =	simm.s32 $0x4  }
0x8: {  	s15 =	simm.s32 $0x5;
	s16 =	simm.s32 $0x6;
	s17 =	simm.s32 $0x7  }
0x9: {  	s18 =	simm.s32 $0x8;
	s19 =	simm.s32 $0x5200;
	s20 =	simm.s32 $0x0  }
0xa: {  	[smem:$0x7FF] =	sst s3;
	s8 =	sand.u32 $0x1, s8;
	s10 =	sshll.u32 s2, $0x1  }
0xb: {  	s4 =	sadd.s32 $0x600, s4;
	s12 =	sshll.u32 s2, $0x12;
	_ =	strace $0x80000047  }
0xc: {  	s9 =	ssub.s32 $0x2, s8;
	s10 =	sor.u32 s8, s10;
	s12 =	sadd.s32 s12, s6  }
0xd: {  	s8 =	sshll.u32 s8, $0x11;
	s11 =	sshrl.u32 s9, $0x1;
	s31 =	sshll.u32 s10, $0x6  }
0xe: {  	s10 =	sshll.u32 s10, $0xA;
	s8 =	sadd.s32 s8, s12;
	s12 =	simm.s32 $0x2  }
0xf: {  	s9 =	ssub.s32 s9, s11;
	s5 =	sadd.s32 s5, s31;
	s6 =	sadd.s32 s7, s10  }
0x10: {  	[dreg:$0x6] =	wrdreg s8;
	s8 =	simm.s32 $0xA;
	s10 =	simm.s32 $0x9  }
0x11: {  	s11 =	simm.s32 $0x1;
	s7 =	smax.u32 s9, $0x1;
	s9 =	simm.s32 $0x4A00  }
.LBB2_1:
0x12: {  	s21 =	simm.s32 $0x4800  }
0x13: {  	[tilespmem:s21], [sflag:$0xA] =	stream.linear.gather [hbm4b:s5+s3], $0x200, $0x38;
	[tilespmem:$0x7200] =	vst v63  }
0x14: {  	_ =	swait.ge [sflag:s8], $0x200  }
0x15: {  	[sflag:s8] =	ssyncset.done $0x0  }
0x16: {  	[sflag:s8] =	ssyncadd.s32 $0xFFFFFE00  }
0x17: {  	[tilespmem:s3], [sflag:$0x9] =	stream.linear.gather [hbm4b:s1+s3], $0x4800, $0x38;
	[tilespmem:$0x7200] =	vst v63  }
0x18: {  	_ = 	snop  }
0x19: {  	[tilespmem:s9], [sflag:$0xA] =	stream.linear.gather [hbm4b:s4+s3], $0x800, $0x38;
	[tilespmem:$0x7200] =	vst v63  }
0x1a: {  	_ =	swait.ge [sflag:s8], $0x800  }
0x1b: {  	[sflag:s8] =	ssyncset.done $0x0  }
0x1c: {  	[sflag:s8] =	ssyncadd.s32 $0xFFFFF800  }
0x1d: {  	_ =	swait.ge [sflag:s10], $0x4800  }
0x1e: {  	[sflag:s10] =	ssyncset.done $0x0  }
0x1f: {  	[sflag:s10] =	ssyncadd.s32 $0xFFFFB800  }
0x20: {  	v0 =	vld [tilespmem:s21+$0x0];
	_ =	sdelay $0x4  }
0x21: {  	v0 =	vshll.u32 v0, $0x7  }
0x22: {  	(v2sf) =	vpush v0, $0x0;
	_ =	sdelay $0x1  }
0x23: {  	(v2sf) =	vpush v0, $0x1;
	_ =	sdelay $0x1  }
0x24: {  	(v2sf) =	vpush v0, $0x2;
	_ =	sdelay $0x1  }
0x25: {  	(v2sf) =	vpush v0, $0x3;
	_ =	sdelay $0x1  }
0x26: {  	(v2sf) =	vpush v0, $0x4;
	_ =	sdelay $0x1  }
0x27: {  	(v2sf) =	vpush v0, $0x5;
	_ =	sdelay $0x1  }
0x28: {  	(v2sf) =	vpush v0, $0x6;
	_ =	sdelay $0x1  }
0x29: {  	s26 =	rddreg [dreg:$0x6];
	(v2sf) =	vpush v0, $0x7  }
0x2a: {  	s22 =	sadd.s32 $0x0, s26;
	s28 =	spop (v2sf)  }
0x2b: {  	(v2sf) =	vpush v0, $0x8;
	[hbm4b:s22+s3] =	stream.linear.scatter [tilespmem:s28], [sflag:$0x1], $0x800, $0x38;
	[tilespmem:$0x7200] =	vst v63  }
0x2c: {  	s29 =	sadd.s32 $0x100, s22;
	s23 =	spop (v2sf);
	(v2sf) =	vpush v0, $0x9  }
0x2d: {  	[hbm4b:s29+s3] =	stream.linear.scatter [tilespmem:s23], [sflag:$0x2], $0x800, $0x38;
	[tilespmem:$0x7200] =	vst v63  }
0x2e: {  	s30 =	sadd.s32 $0x200, s22;
	s31 =	spop (v2sf);
	(v2sf) =	vpush v0, $0xA  }
0x2f: {  	[hbm4b:s30+s3] =	stream.linear.scatter [tilespmem:s31], [sflag:$0x3], $0x800, $0x38;
	[tilespmem:$0x7200] =	vst v63  }
0x30: {  	s23 =	sadd.s32 $0x300, s22;
	s24 =	spop (v2sf);
	(v2sf) =	vpush v0, $0xB  }
0x31: {  	[hbm4b:s23+s3] =	stream.linear.scatter [tilespmem:s24], [sflag:$0x4], $0x800, $0x38;
	[tilespmem:$0x7200] =	vst v63  }
0x32: {  	s25 =	sadd.s32 $0x400, s22;
	s26 =	spop (v2sf);
	(v2sf) =	vpush v0, $0xC  }
0x33: {  	[hbm4b:s25+s3] =	stream.linear.scatter [tilespmem:s26], [sflag:$0x5], $0x800, $0x38;
	[tilespmem:$0x7200] =	vst v63  }
0x34: {  	s28 =	sadd.s32 $0x500, s22;
	s29 =	spop (v2sf);
	(v2sf) =	vpush v0, $0xD  }
0x35: {  	[hbm4b:s28+s3] =	stream.linear.scatter [tilespmem:s29], [sflag:$0x6], $0x800, $0x38;
	[tilespmem:$0x7200] =	vst v63  }
0x36: {  	s30 =	sadd.s32 $0x600, s22;
	s31 =	spop (v2sf);
	(v2sf) =	vpush v0, $0xE  }
0x37: {  	[hbm4b:s30+s3] =	stream.linear.scatter [tilespmem:s31], [sflag:$0x7], $0x800, $0x38;
	[tilespmem:$0x7200] =	vst v63  }
0x38: {  	s23 =	sadd.s32 $0x700, s22;
	s24 =	spop (v2sf);
	(v2sf) =	vpush v0, $0xF  }
0x39: {  	[hbm4b:s23+s3] =	stream.linear.scatter [tilespmem:s24], [sflag:$0x8], $0x800, $0x38;
	[tilespmem:$0x7200] =	vst v63  }
0x3a: {  	s26 =	spop (v2sf)  }
0x3b: {  	s25 =	sadd.s32 $0x800, s22;
	s29 =	spop (v2sf)  }
0x3c: {  	[hbm4b:s25+s3] =	stream.linear.scatter [tilespmem:s26], [sflag:$0x1], $0x800, $0x38;
	[tilespmem:$0x7200] =	vst v63  }
0x3d: {  	s28 =	sadd.s32 $0x900, s22;
	s31 =	spop (v2sf)  }
0x3e: {  	[hbm4b:s28+s3] =	stream.linear.scatter [tilespmem:s29], [sflag:$0x2], $0x800, $0x38;
	[tilespmem:$0x7200] =	vst v63  }
0x3f: {  	s30 =	sadd.s32 $0xA00, s22;
	s24 =	spop (v2sf)  }
0x40: {  	[hbm4b:s30+s3] =	stream.linear.scatter [tilespmem:s31], [sflag:$0x3], $0x800, $0x38;
	[tilespmem:$0x7200] =	vst v63  }
0x41: {  	s21 =	simm.s32 $0x1000;
	s23 =	sadd.s32 $0xB00, s22;
	s26 =	spop (v2sf)  }
0x42: {  	[hbm4b:s23+s3] =	stream.linear.scatter [tilespmem:s24], [sflag:$0x4], $0x800, $0x38;
	[tilespmem:$0x7200] =	vst v63  }
0x43: {  	s25 =	sadd.s32 $0xC00, s22;
	s28 =	sadd.s32 $0xD00, s22;
	s29 =	spop (v2sf)  }
0x44: {  	[hbm4b:s25+s3] =	stream.linear.scatter [tilespmem:s26], [sflag:$0x5], $0x800, $0x38;
	[tilespmem:$0x7200] =	vst v63  }
0x45: {  	s30 =	sadd.s32 $0xE00, s22;
	s31 =	spop (v2sf);
	s24 =	sadd.s32 $0xF00, s22  }
0x46: {  	[hbm4b:s28+s3] =	stream.linear.scatter [tilespmem:s29], [sflag:$0x6], $0x800, $0x38;
	[tilespmem:$0x7200] =	vst v63  }
0x47: {  	s22 =	simm.s32 $0x4810;
	s23 =	simm.s32 $0x0;
	s25 =	spop (v2sf)  }
0x48: {  	[hbm4b:s30+s3] =	stream.linear.scatter [tilespmem:s31], [sflag:$0x7], $0x800, $0x38;
	[tilespmem:$0x7200] =	vst v63  }
.LBB2_2:
0x49: {  	[hbm4b:s24+s23] =	stream.linear.scatter [tilespmem:s25], [sflag:$0x8], $0x800, $0x38;
	[tilespmem:$0x7200] =	vst v63  }
0x4a: {  	v0 =	vld [tilespmem:s22+$0x0];
	_ =	sdelay $0x4  }
0x4b: {  	v0 =	vshll.u32 v0, $0x7  }
0x4c: {  	(v2sf) =	vpush v0, $0x0;
	_ =	sdelay $0x1  }
0x4d: {  	(v2sf) =	vpush v0, $0x1;
	_ =	sdelay $0x1  }
0x4e: {  	(v2sf) =	vpush v0, $0x2;
	_ =	sdelay $0x1  }
0x4f: {  	(v2sf) =	vpush v0, $0x3;
	_ =	sdelay $0x1  }
0x50: {  	(v2sf) =	vpush v0, $0x4;
	_ =	sdelay $0x1  }
0x51: {  	(v2sf) =	vpush v0, $0x5;
	_ =	sdelay $0x1  }
0x52: {  	(v2sf) =	vpush v0, $0x6;
	_ =	sdelay $0x1  }
0x53: {  	s25 =	smov.u32 s21;
	s26 =	rddreg [dreg:$0x6];
	(v2sf) =	vpush v0, $0x7  }
0x54: {  	s23 =	simm.s32 $0x0;
	s24 =	sadd.s32 s25, s26;
	s28 =	spop (v2sf)  }
0x55: {  	(v2sf) =	vpush v0, $0x8;
	[hbm4b:s24+s23] =	stream.linear.scatter [tilespmem:s28], [sflag:$0x1], $0x800, $0x38;
	[tilespmem:$0x7200] =	vst v63  }
0x56: {  	s29 =	sadd.s32 $0x100, s24;
	s26 =	spop (v2sf)  }
0x57: {  	(v2sf) =	vpush v0, $0x9;
	[hbm4b:s29+s23] =	stream.linear.scatter [tilespmem:s26], [sflag:$0x2], $0x800, $0x38;
	[tilespmem:$0x7200] =	vst v63  }
0x58: {  	s30 =	sadd.s32 $0x200, s24;
	s31 =	spop (v2sf)  }
0x59: {  	(v2sf) =	vpush v0, $0xA;
	[hbm4b:s30+s23] =	stream.linear.scatter [tilespmem:s31], [sflag:$0x3], $0x800, $0x38;
	[tilespmem:$0x7200] =	vst v63  }
0x5a: {  	s28 =	sadd.s32 $0x300, s24;
	s29 =	spop (v2sf)  }
0x5b: {  	(v2sf) =	vpush v0, $0xB;
	[hbm4b:s28+s23] =	stream.linear.scatter [tilespmem:s29], [sflag:$0x4], $0x800, $0x38;
	[tilespmem:$0x7200] =	vst v63  }
0x5c: {  	s30 =	sadd.s32 $0x400, s24;
	s31 =	spop (v2sf)  }
0x5d: {  	(v2sf) =	vpush v0, $0xC;
	[hbm4b:s30+s23] =	stream.linear.scatter [tilespmem:s31], [sflag:$0x5], $0x800, $0x38;
	[tilespmem:$0x7200] =	vst v63  }
0x5e: {  	s28 =	sadd.s32 $0x500, s24;
	s29 =	spop (v2sf)  }
0x5f: {  	(v2sf) =	vpush v0, $0xD;
	[hbm4b:s28+s23] =	stream.linear.scatter [tilespmem:s29], [sflag:$0x6], $0x800, $0x38;
	[tilespmem:$0x7200] =	vst v63  }
0x60: {  	s30 =	sadd.s32 $0x600, s24;
	s31 =	spop (v2sf);
	(v2sf) =	vpush v0, $0xE  }
0x61: {  	[hbm4b:s30+s23] =	stream.linear.scatter [tilespmem:s31], [sflag:$0x7], $0x800, $0x38;
	[tilespmem:$0x7200] =	vst v63  }
0x62: {  	s28 =	sadd.s32 $0x700, s24;
	s29 =	spop (v2sf);
	(v2sf) =	vpush v0, $0xF  }
0x63: {  	[hbm4b:s28+s23] =	stream.linear.scatter [tilespmem:s29], [sflag:$0x8], $0x800, $0x38;
	[tilespmem:$0x7200] =	vst v63  }
0x64: {  	s30 =	sadd.s32 $0x800, s24;
	s31 =	spop (v2sf)  }
0x65: {  	[hbm4b:s30+s23] =	stream.linear.scatter [tilespmem:s31], [sflag:$0x1], $0x800, $0x38;
	[tilespmem:$0x7200] =	vst v63  }
0x66: {  	s28 =	sadd.s32 $0x900, s24;
	s29 =	spop (v2sf)  }
0x67: {  	[hbm4b:s28+s23] =	stream.linear.scatter [tilespmem:s29], [sflag:$0x2], $0x800, $0x38;
	[tilespmem:$0x7200] =	vst v63  }
0x68: {  	s30 =	sadd.s32 $0xA00, s24;
	s31 =	spop (v2sf)  }
0x69: {  	[hbm4b:s30+s23] =	stream.linear.scatter [tilespmem:s31], [sflag:$0x3], $0x800, $0x38;
	[tilespmem:$0x7200] =	vst v63  }
0x6a: {  	s28 =	sadd.s32 $0xB00, s24;
	s29 =	spop (v2sf)  }
0x6b: {  	[hbm4b:s28+s23] =	stream.linear.scatter [tilespmem:s29], [sflag:$0x4], $0x800, $0x38;
	[tilespmem:$0x7200] =	vst v63  }
0x6c: {  	p0 =	sne.s32 s21, $0x1F000;
	s30 =	sadd.s32 $0xC00, s24;
	s31 =	spop (v2sf)  }
0x6d: {  	[hbm4b:s30+s23] =	stream.linear.scatter [tilespmem:s31], [sflag:$0x5], $0x800, $0x38;
	[tilespmem:$0x7200] =	vst v63  }
.Ltmp0:
0x6e: {  	s21 =	sadd.s32 $0x1000, s21;
	s29 =	spop (v2sf);
	(pc) =	sbr.rel @p0 .LBB2_2-.Ltmp0, $4  }
0x6f: {  	s22 =	sadd.s32 $0x10, s22;
	s28 =	sadd.s32 $0xD00, s24;
	s31 =	spop (v2sf)  }
0x70: {  	[hbm4b:s28+s23] =	stream.linear.scatter [tilespmem:s29], [sflag:$0x6], $0x800, $0x38;
	[tilespmem:$0x7200] =	vst v63  }
0x71: {  	s30 =	sadd.s32 $0xE00, s24;
	s24 =	sadd.s32 $0xF00, s24;
	s25 =	spop (v2sf)  }
0x72: {  	[hbm4b:s30+s23] =	stream.linear.scatter [tilespmem:s31], [sflag:$0x7], $0x800, $0x38;
	[tilespmem:$0x7200] =	vst v63  }
0x73: {  	[hbm4b:s24+s23] =	stream.linear.scatter [tilespmem:s25], [sflag:$0x8], $0x800, $0x38;
	[tilespmem:$0x7200] =	vst v63  }
0x74: {  	s21 =	simm.s32 $0x0  }
0x75: {  	v0 =	vld [tilespmem:s21+$0x4800];
	_ =	sdelay $0x4  }
0x76: {  	v0 =	vshll.u32 v0, $0x6  }
0x77: {  	v0 =	vshra.s32 v0, $0x2  }
0x78: {  	v0 =	vadd.s32 $0x4A00, v0  }
0x79: {  	(v2sf) =	vpush v0, $0x0;
	_ =	sdelay $0x5  }
0x7a: {  	(v2sf) =	vpush v0, $0x1;
	_ =	sdelay $0x5  }
0x7b: {  	(v2sf) =	vpush v0, $0x2;
	_ =	sdelay $0x2  }
0x7c: {  	s24 =	spop (v2sf)  }
0x7d: {  	v1 =	vld [tilespmem:s24+$0x0];
	_ =	sdelay $0x1  }
0x7e: {  	(v2sf) =	vpush v0, $0x3;
	_ =	sdelay $0x1  }
0x7f: {  	s21 =	simm.s32 $0x5280  }
0x80: {  	s22 =	spop (v2sf);
	[tilespmem:s21+$0xFFFFFF80] =	vst v1  }
0x81: {  	v1 =	vld [tilespmem:s22+$0x0];
	_ =	sdelay $0x1  }
0x82: {  	(v2sf) =	vpush v0, $0x4;
	_ =	sdelay $0x2  }
0x83: {  	s25 =	spop (v2sf);
	[tilespmem:s21+$0xFFFFFF90] =	vst v1  }
0x84: {  	v1 =	vld [tilespmem:s25+$0x0];
	_ =	sdelay $0x1  }
0x85: {  	(v2sf) =	vpush v0, $0x5;
	_ =	sdelay $0x2  }
0x86: {  	s26 =	spop (v2sf);
	[tilespmem:s21+$0xFFFFFFA0] =	vst v1  }
0x87: {  	v1 =	vld [tilespmem:s26+$0x0];
	_ =	sdelay $0x1  }
0x88: {  	(v2sf) =	vpush v0, $0x6;
	_ =	sdelay $0x2  }
0x89: {  	s28 =	spop (v2sf);
	[tilespmem:s21+$0xFFFFFFB0] =	vst v1  }
0x8a: {  	v1 =	vld [tilespmem:s28+$0x0];
	_ =	sdelay $0x1  }
0x8b: {  	(v2sf) =	vpush v0, $0x7;
	_ =	sdelay $0x2  }
0x8c: {  	s29 =	spop (v2sf);
	[tilespmem:s21+$0xFFFFFFC0] =	vst v1  }
0x8d: {  	v1 =	vld [tilespmem:s29+$0x0];
	_ =	sdelay $0x1  }
0x8e: {  	(v2sf) =	vpush v0, $0x8;
	_ =	sdelay $0x2  }
0x8f: {  	s30 =	spop (v2sf);
	[tilespmem:s21+$0xFFFFFFD0] =	vst v1  }
0x90: {  	v1 =	vld [tilespmem:s30+$0x0];
	_ =	sdelay $0x1  }
0x91: {  	(v2sf) =	vpush v0, $0x9;
	_ =	sdelay $0x2  }
0x92: {  	s31 =	spop (v2sf);
	[tilespmem:s21+$0xFFFFFFE0] =	vst v1  }
0x93: {  	v1 =	vld [tilespmem:s31+$0x0];
	_ =	sdelay $0x1  }
0x94: {  	(v2sf) =	vpush v0, $0xA;
	_ =	sdelay $0x2  }
0x95: {  	s23 =	spop (v2sf);
	[tilespmem:s21+$0xFFFFFFF0] =	vst v1  }
0x96: {  	v1 =	vld [tilespmem:s23+$0x0];
	_ =	sdelay $0x1  }
0x97: {  	(v2sf) =	vpush v0, $0xB;
	_ =	sdelay $0x2  }
0x98: {  	s24 =	spop (v2sf);
	[tilespmem:s21+$0x0] =	vst v1  }
0x99: {  	v1 =	vld [tilespmem:s24+$0x0];
	_ =	sdelay $0x1  }
0x9a: {  	(v2sf) =	vpush v0, $0xC;
	_ =	sdelay $0x2  }
0x9b: {  	s25 =	spop (v2sf);
	[tilespmem:s21+$0x10] =	vst v1  }
0x9c: {  	v1 =	vld [tilespmem:s25+$0x0];
	_ =	sdelay $0x1  }
0x9d: {  	(v2sf) =	vpush v0, $0xD;
	_ =	sdelay $0x2  }
0x9e: {  	s26 =	spop (v2sf);
	[tilespmem:s21+$0x20] =	vst v1  }
0x9f: {  	v1 =	vld [tilespmem:s26+$0x0];
	_ =	sdelay $0x1  }
0xa0: {  	(v2sf) =	vpush v0, $0xE;
	_ =	sdelay $0x2  }
0xa1: {  	s28 =	spop (v2sf);
	[tilespmem:s21+$0x30] =	vst v1  }
0xa2: {  	v1 =	vld [tilespmem:s28+$0x0];
	_ =	sdelay $0x1  }
0xa3: {  	(v2sf) =	vpush v0, $0xF;
	_ =	sdelay $0x2  }
0xa4: {  	s29 =	spop (v2sf);
	[tilespmem:s21+$0x40] =	vst v1  }
0xa5: {  	v0 =	vld [tilespmem:s29+$0x0];
	_ =	sdelay $0x4  }
0xa6: {  	s30 =	spop (v2sf);
	[tilespmem:s21+$0x50] =	vst v0  }
0xa7: {  	v0 =	vld [tilespmem:s30+$0x0];
	_ =	sdelay $0x4  }
0xa8: {  	s31 =	spop (v2sf);
	[tilespmem:s21+$0x60] =	vst v0  }
0xa9: {  	s22 =	simm.s32 $0x40;
	s24 =	simm.s32 $0x80;
	v0 =	vld [tilespmem:s31+$0x0]  }
.LBB2_4:
0xaa: {  	_ =	sdelay $0x2  }
0xab: {  	s25 =	sshra.s32 s22, $0x2  }
0xac: {  	s22 =	smov.u32 s24;
	s23 =	sadd.s32 $0x40, s24;
	[tilespmem:s21+$0x70] =	vst v0;
	s21 =	sadd.s32 $0x100, s21  }
0xad: {  	p0 =	sne.s32 s24, $0x7C0;
	v0 =	vld [tilespmem:s25+$0x4800];
	_ =	sdelay $0x4  }
0xae: {  	v0 =	vshll.u32 v0, $0x6  }
0xaf: {  	v0 =	vshra.s32 v0, $0x2  }
0xb0: {  	v0 =	vadd.s32 $0x4A00, v0  }
0xb1: {  	(v2sf) =	vpush v0, $0x0;
	_ =	sdelay $0x5  }
0xb2: {  	(v2sf) =	vpush v0, $0x1;
	_ =	sdelay $0x5  }
0xb3: {  	(v2sf) =	vpush v0, $0x2;
	_ =	sdelay $0x2  }
0xb4: {  	s24 =	spop (v2sf)  }
0xb5: {  	v1 =	vld [tilespmem:s24+$0x0];
	_ =	sdelay $0x1  }
0xb6: {  	(v2sf) =	vpush v0, $0x3;
	_ =	sdelay $0x2  }
0xb7: {  	[tilespmem:s21+$0xFFFFFF80] =	vst v1;
	s24 =	spop (v2sf)  }
0xb8: {  	v1 =	vld [tilespmem:s24+$0x0];
	_ =	sdelay $0x1  }
0xb9: {  	(v2sf) =	vpush v0, $0x4;
	_ =	sdelay $0x2  }
0xba: {  	[tilespmem:s21+$0xFFFFFF90] =	vst v1;
	s24 =	spop (v2sf)  }
0xbb: {  	v1 =	vld [tilespmem:s24+$0x0];
	_ =	sdelay $0x1  }
0xbc: {  	(v2sf) =	vpush v0, $0x5;
	_ =	sdelay $0x2  }
0xbd: {  	[tilespmem:s21+$0xFFFFFFA0] =	vst v1;
	s24 =	spop (v2sf)  }
0xbe: {  	v1 =	vld [tilespmem:s24+$0x0];
	_ =	sdelay $0x1  }
0xbf: {  	(v2sf) =	vpush v0, $0x6;
	_ =	sdelay $0x2  }
0xc0: {  	[tilespmem:s21+$0xFFFFFFB0] =	vst v1;
	s24 =	spop (v2sf)  }
0xc1: {  	v1 =	vld [tilespmem:s24+$0x0];
	_ =	sdelay $0x1  }
0xc2: {  	(v2sf) =	vpush v0, $0x7;
	_ =	sdelay $0x2  }
0xc3: {  	[tilespmem:s21+$0xFFFFFFC0] =	vst v1;
	s24 =	spop (v2sf)  }
0xc4: {  	v1 =	vld [tilespmem:s24+$0x0];
	_ =	sdelay $0x1  }
0xc5: {  	(v2sf) =	vpush v0, $0x8;
	_ =	sdelay $0x2  }
0xc6: {  	[tilespmem:s21+$0xFFFFFFD0] =	vst v1;
	s24 =	spop (v2sf)  }
0xc7: {  	v1 =	vld [tilespmem:s24+$0x0];
	_ =	sdelay $0x1  }
0xc8: {  	(v2sf) =	vpush v0, $0x9;
	_ =	sdelay $0x2  }
0xc9: {  	[tilespmem:s21+$0xFFFFFFE0] =	vst v1;
	s24 =	spop (v2sf)  }
0xca: {  	v1 =	vld [tilespmem:s24+$0x0];
	_ =	sdelay $0x1  }
0xcb: {  	(v2sf) =	vpush v0, $0xA;
	_ =	sdelay $0x2  }
0xcc: {  	[tilespmem:s21+$0xFFFFFFF0] =	vst v1;
	s24 =	spop (v2sf)  }
0xcd: {  	v1 =	vld [tilespmem:s24+$0x0];
	_ =	sdelay $0x1  }
0xce: {  	(v2sf) =	vpush v0, $0xB;
	_ =	sdelay $0x2  }
0xcf: {  	[tilespmem:s21+$0x0] =	vst v1;
	s24 =	spop (v2sf)  }
0xd0: {  	v1 =	vld [tilespmem:s24+$0x0];
	_ =	sdelay $0x1  }
0xd1: {  	(v2sf) =	vpush v0, $0xC;
	_ =	sdelay $0x2  }
0xd2: {  	[tilespmem:s21+$0x10] =	vst v1;
	s24 =	spop (v2sf)  }
0xd3: {  	v1 =	vld [tilespmem:s24+$0x0];
	_ =	sdelay $0x1  }
0xd4: {  	(v2sf) =	vpush v0, $0xD;
	_ =	sdelay $0x2  }
0xd5: {  	[tilespmem:s21+$0x20] =	vst v1;
	s24 =	spop (v2sf)  }
0xd6: {  	v1 =	vld [tilespmem:s24+$0x0];
	_ =	sdelay $0x1  }
0xd7: {  	(v2sf) =	vpush v0, $0xE;
	_ =	sdelay $0x2  }
0xd8: {  	[tilespmem:s21+$0x30] =	vst v1;
	s24 =	spop (v2sf)  }
0xd9: {  	v1 =	vld [tilespmem:s24+$0x0];
	_ =	sdelay $0x1  }
0xda: {  	(v2sf) =	vpush v0, $0xF;
	_ =	sdelay $0x2  }
0xdb: {  	[tilespmem:s21+$0x40] =	vst v1;
	s24 =	spop (v2sf)  }
0xdc: {  	v0 =	vld [tilespmem:s24+$0x0];
	_ =	sdelay $0x4  }
0xdd: {  	[tilespmem:s21+$0x50] =	vst v0;
	s24 =	spop (v2sf)  }
0xde: {  	v0 =	vld [tilespmem:s24+$0x0];
	_ =	sdelay $0x1  }
.Ltmp1:
0xdf: {  	(pc) =	sbr.rel @p0 .LBB2_4-.Ltmp1, $3  }
0xe0: {  	_ =	sdelay $0x1  }
0xe1: {  	[tilespmem:s21+$0x60] =	vst v0;
	s24 =	spop (v2sf)  }
0xe2: {  	v0 =	vld [tilespmem:s24+$0x0];
	s24 =	smov.u32 s23  }
0xe3: {  	_ =	sdelay $0x3  }
0xe4: {  	s22 =	sshra.s32 s22, $0x2;
	[tilespmem:s21+$0x70] =	vst v0  }
0xe5: {  	v0 =	vld [tilespmem:s22+$0x4800];
	_ =	sdelay $0x4  }
0xe6: {  	v0 =	vshll.u32 v0, $0x6  }
0xe7: {  	v0 =	vshra.s32 v0, $0x2  }
0xe8: {  	v0 =	vadd.s32 $0x4A00, v0  }
0xe9: {  	(v2sf) =	vpush v0, $0x0;
	_ =	sdelay $0x5  }
0xea: {  	(v2sf) =	vpush v0, $0x1;
	_ =	sdelay $0x5  }
0xeb: {  	(v2sf) =	vpush v0, $0x2;
	_ =	sdelay $0x2  }
0xec: {  	s23 =	spop (v2sf)  }
0xed: {  	v1 =	vld [tilespmem:s23+$0x0];
	_ =	sdelay $0x1  }
0xee: {  	(v2sf) =	vpush v0, $0x3;
	_ =	sdelay $0x1  }
0xef: {  	s21 =	sadd.s32 $0x100, s21  }
0xf0: {  	s24 =	spop (v2sf);
	[tilespmem:s21+$0xFFFFFF80] =	vst v1  }
0xf1: {  	v1 =	vld [tilespmem:s24+$0x0];
	_ =	sdelay $0x1  }
0xf2: {  	(v2sf) =	vpush v0, $0x4;
	_ =	sdelay $0x2  }
0xf3: {  	s25 =	spop (v2sf);
	[tilespmem:s21+$0xFFFFFF90] =	vst v1  }
0xf4: {  	v1 =	vld [tilespmem:s25+$0x0];
	_ =	sdelay $0x1  }
0xf5: {  	(v2sf) =	vpush v0, $0x5;
	_ =	sdelay $0x2  }
0xf6: {  	s26 =	spop (v2sf);
	[tilespmem:s21+$0xFFFFFFA0] =	vst v1  }
0xf7: {  	v1 =	vld [tilespmem:s26+$0x0];
	_ =	sdelay $0x1  }
0xf8: {  	(v2sf) =	vpush v0, $0x6;
	_ =	sdelay $0x2  }
0xf9: {  	s28 =	spop (v2sf);
	[tilespmem:s21+$0xFFFFFFB0] =	vst v1  }
0xfa: {  	v1 =	vld [tilespmem:s28+$0x0];
	_ =	sdelay $0x1  }
0xfb: {  	(v2sf) =	vpush v0, $0x7;
	_ =	sdelay $0x2  }
0xfc: {  	s29 =	spop (v2sf);
	[tilespmem:s21+$0xFFFFFFC0] =	vst v1  }
0xfd: {  	v1 =	vld [tilespmem:s29+$0x0];
	_ =	sdelay $0x1  }
0xfe: {  	(v2sf) =	vpush v0, $0x8;
	_ =	sdelay $0x2  }
0xff: {  	s30 =	spop (v2sf);
	[tilespmem:s21+$0xFFFFFFD0] =	vst v1  }
0x100: {  	v1 =	vld [tilespmem:s30+$0x0];
	_ =	sdelay $0x1  }
0x101: {  	(v2sf) =	vpush v0, $0x9;
	_ =	sdelay $0x2  }
0x102: {  	s31 =	spop (v2sf);
	[tilespmem:s21+$0xFFFFFFE0] =	vst v1  }
0x103: {  	v1 =	vld [tilespmem:s31+$0x0];
	_ =	sdelay $0x1  }
0x104: {  	(v2sf) =	vpush v0, $0xA;
	_ =	sdelay $0x2  }
0x105: {  	s23 =	spop (v2sf);
	[tilespmem:s21+$0xFFFFFFF0] =	vst v1  }
0x106: {  	v1 =	vld [tilespmem:s23+$0x0];
	_ =	sdelay $0x1  }
0x107: {  	(v2sf) =	vpush v0, $0xB;
	_ =	sdelay $0x2  }
0x108: {  	s24 =	spop (v2sf);
	[tilespmem:s21+$0x0] =	vst v1  }
0x109: {  	v1 =	vld [tilespmem:s24+$0x0];
	_ =	sdelay $0x1  }
0x10a: {  	(v2sf) =	vpush v0, $0xC;
	_ =	sdelay $0x2  }
0x10b: {  	s25 =	spop (v2sf);
	[tilespmem:s21+$0x10] =	vst v1  }
0x10c: {  	v1 =	vld [tilespmem:s25+$0x0];
	_ =	sdelay $0x1  }
0x10d: {  	(v2sf) =	vpush v0, $0xD;
	_ =	sdelay $0x2  }
0x10e: {  	s26 =	spop (v2sf);
	[tilespmem:s21+$0x20] =	vst v1  }
0x10f: {  	v1 =	vld [tilespmem:s26+$0x0];
	_ =	sdelay $0x1  }
0x110: {  	(v2sf) =	vpush v0, $0xE;
	_ =	sdelay $0x2  }
0x111: {  	s28 =	spop (v2sf);
	[tilespmem:s21+$0x30] =	vst v1  }
0x112: {  	v1 =	vld [tilespmem:s28+$0x0];
	_ =	sdelay $0x1  }
0x113: {  	(v2sf) =	vpush v0, $0xF;
	_ =	sdelay $0x2  }
0x114: {  	s29 =	spop (v2sf);
	[tilespmem:s21+$0x40] =	vst v1  }
0x115: {  	v63 =	vld [tilespmem:s29+$0x0];
	_ =	sdelay $0x4  }
0x116: {  	s30 =	spop (v2sf);
	[tilespmem:s21+$0x50] =	vst v63  }
0x117: {  	v0 =	vld [tilespmem:s30+$0x0];
	_ =	sdelay $0x4  }
0x118: {  	s31 =	spop (v2sf);
	[tilespmem:s21+$0x60] =	vst v0  }
0x119: {  	v0 =	vld [tilespmem:s31+$0x0];
	_ =	sdelay $0x4  }
0x11a: {  	[tilespmem:s21+$0x70] =	vst v0  }
0x11b: {  	_ =	swait.ge [sflag:s11], $0x200  }
0x11c: {  	[sflag:s11] =	ssyncset.done $0x0  }
0x11d: {  	[sflag:s11] =	ssyncadd.s32 $0xFFFFFE00  }
0x11e: {  	_ =	swait.ge [sflag:s12], $0x200  }
0x11f: {  	[sflag:s12] =	ssyncset.done $0x0  }
0x120: {  	[sflag:s12] =	ssyncadd.s32 $0xFFFFFE00  }
0x121: {  	_ =	swait.ge [sflag:s13], $0x200  }
0x122: {  	[sflag:s13] =	ssyncset.done $0x0  }
0x123: {  	[sflag:s13] =	ssyncadd.s32 $0xFFFFFE00  }
0x124: {  	_ =	swait.ge [sflag:s14], $0x200  }
0x125: {  	[sflag:s14] =	ssyncset.done $0x0  }
0x126: {  	[sflag:s14] =	ssyncadd.s32 $0xFFFFFE00  }
0x127: {  	_ =	swait.ge [sflag:s15], $0x200  }
0x128: {  	[sflag:s15] =	ssyncset.done $0x0  }
0x129: {  	[sflag:s15] =	ssyncadd.s32 $0xFFFFFE00  }
0x12a: {  	_ =	swait.ge [sflag:s16], $0x200  }
0x12b: {  	[sflag:s16] =	ssyncset.done $0x0  }
0x12c: {  	[sflag:s16] =	ssyncadd.s32 $0xFFFFFE00  }
0x12d: {  	_ =	swait.ge [sflag:s17], $0x200  }
0x12e: {  	[sflag:s17] =	ssyncset.done $0x0  }
0x12f: {  	[sflag:s17] =	ssyncadd.s32 $0xFFFFFE00  }
0x130: {  	_ =	swait.ge [sflag:s18], $0x200  }
0x131: {  	s21 =	simm.s32 $0x1F;
	[sflag:s18] =	ssyncset.done $0x0  }
.LBB2_6:
0x132: {  	p0 =	sne.s32 s21, $0x1;
	s21 =	sadd.s32 $0xFFFFFFFF, s21;
	[sflag:s18] =	ssyncadd.s32 $0xFFFFFE00  }
0x133: {  	_ =	swait.ge [sflag:s11], $0x200  }
0x134: {  	[sflag:s11] =	ssyncset.done $0x0  }
0x135: {  	[sflag:s11] =	ssyncadd.s32 $0xFFFFFE00  }
0x136: {  	_ =	swait.ge [sflag:s12], $0x200  }
0x137: {  	[sflag:s12] =	ssyncset.done $0x0  }
0x138: {  	[sflag:s12] =	ssyncadd.s32 $0xFFFFFE00  }
0x139: {  	_ =	swait.ge [sflag:s13], $0x200  }
0x13a: {  	[sflag:s13] =	ssyncset.done $0x0  }
0x13b: {  	[sflag:s13] =	ssyncadd.s32 $0xFFFFFE00  }
0x13c: {  	_ =	swait.ge [sflag:s14], $0x200  }
0x13d: {  	[sflag:s14] =	ssyncset.done $0x0  }
0x13e: {  	[sflag:s14] =	ssyncadd.s32 $0xFFFFFE00  }
0x13f: {  	_ =	swait.ge [sflag:s15], $0x200  }
0x140: {  	[sflag:s15] =	ssyncset.done $0x0  }
0x141: {  	[sflag:s15] =	ssyncadd.s32 $0xFFFFFE00  }
0x142: {  	_ =	swait.ge [sflag:s16], $0x200  }
0x143: {  	[sflag:s16] =	ssyncset.done $0x0  }
0x144: {  	[sflag:s16] =	ssyncadd.s32 $0xFFFFFE00  }
.Ltmp2:
0x145: {  	_ =	swait.ge [sflag:s17], $0x200;
	(pc) =	sbr.rel @p0 .LBB2_6-.Ltmp2, $4  }
0x146: {  	[sflag:s17] =	ssyncset.done $0x0  }
0x147: {  	[sflag:s17] =	ssyncadd.s32 $0xFFFFFE00  }
0x148: {  	_ =	swait.ge [sflag:s18], $0x200  }
0x149: {  	[sflag:s18] =	ssyncset.done $0x0  }
0x14a: {  	s20 =	sadd.s32 $0x1, s20  }
0x14b: {  	p0 =	sne.s32 s20, s7  }
.Ltmp3:
0x14c: {  	[sflag:s18] =	ssyncadd.s32 $0xFFFFFE00;
	(pc) =	sbr.rel @p0 .LBB2_1-.Ltmp3, $4  }
0x14d: {  	[hbm4b:s6+s3] =	stream.linear.scatter [tilespmem:s19], [sflag:$0x9], $0x2000, $0x38;
	[tilespmem:$0x7200] =	vst v63  }
0x14e: {  	_ =	swait.ge [sflag:s10], $0x2000  }
0x14f: {  	[sflag:s10] =	ssyncset.done $0x0  }
0x150: {  	[sflag:s10] =	ssyncadd.s32 $0xFFFFE000  }
0x151: {  	_ =	sfence.sel $0x180000  }
0x152: {  	[bflag:$0x0] =	sbarrier.arrive $0xFFFF  }
0x153: {  	p0 =	sne.s32 s2, $0x0;
	_ =	strace $0x90000047  }
0x154: {  	s0 =	sadd.s32 @!p0 $0x100000, s0;
	[bflag:$0x2] =	sbarrier.arrive $0xFFFF  }
0x155: {  	[sflag:s0] =	ssyncadd.tile.s32 @!p0 $0x1;
	_ =	shalt  }
.Lfunc_end2:
_tile_overlayer_lowered:
.L_overlay_start_2:
0x156: {  	(tag) =	ssettag $0x2  }
0x157: {  	s0 =	rddreg [dreg:$0x0];
	s2 =	stileid.u32  }
0x158: {  	s1 =	rddreg [dreg:$0x1];
	p0 =	sne.s32 s2, $0x0  }
0x159: {  	s3 =	rddreg [dreg:$0x2];
	[bflag:$0x3] =	sbarrier.arrive $0xFFFF;
	s2 =	simm.s32 @!p0 $0x1C0A  }
0x15a: {  	[timem:s3], [sflag:s2] =	dma.local @!p0 [hbm:s0], s1  }
0x15b: {  	s0 =	simm.s32 @!p0 $0xA  }
0x15c: {  	_ =	swait.ge @!p0 [sflag:s0], s1  }
0x15d: {  	s1 =	ssub.s32 @!p0 $0x0, s1;
	[sflag:s0] =	ssyncset.done @!p0 $0x0  }
0x15e: {  	[sflag:s0] =	ssyncadd.s32 @!p0 s1  }
0x15f: {  	[bflag:$0x3] =	sbarrier.arrive $0xFFFF  }
0x160: {  	_ =	shalt  }

</sc_bundles>
